<compile_context>
chip_gen: v7x
topology: tpu7x:2x2x1
jax: 0.10.2.dev20260603
libtpu: 0.0.44.dev20260713+nightly
codegen_flags: <defaults>
</compile_context>

<pallas_src>
import jax
import jax.numpy as jnp
from jax import lax
from jax.experimental import pallas as pl
from jax.experimental.pallas import tpu as pltpu
from jax.experimental.pallas import tpu_sc as plsc

N = 10000
D = 128
E = 320000
EPS = 1e-5

NC = 2
NS = 16
DH = D // NC
DW = DH + 8
ESUB = E // NS
CH = 80
NCHUNK = ESUB // CH
HALF = NCHUNK // 2
RU = 80
NUNIT = N // RU
SHIFT = 14


def _sc_body(feat_hbm, packed_hbm, out_sum,
             packed_v, src_c, dst_c, rows_v,
             table_sh, acc_sh, gsem, ssem):
    cid = lax.axis_index("c")
    sid = lax.axis_index("s")

    pltpu.sync_copy(packed_hbm.at[sid, 0], packed_v)

    zeros16 = jnp.zeros((16,), jnp.float32)
    ones16 = jnp.ones((16,), jnp.float32)

    def fill(r, carry):
        for q in range(DW // 8 // 2):
            rows_v[0, r, pl.ds(q * 16, 16)] = zeros16
        rows_v[0, r, pl.ds(DW - 16, 16)] = zeros16
        rows_v[1, r, pl.ds(0, 16)] = ones16
        return carry
    lax.fori_loop(0, RU, fill, 0)

    def init_descs(u):
        return (
            pltpu.make_async_copy(rows_v.at[0], acc_sh.at[pl.ds(u * RU, RU)],
                                  ssem.at[0]),
            pltpu.make_async_copy(
                feat_hbm.at[pl.ds(u * RU, RU), pl.ds(cid * DH, DH)],
                table_sh.at[pl.ds(u * RU, RU), pl.ds(0, DH)], ssem.at[1]),
            pltpu.make_async_copy(
                rows_v.at[1, pl.ds(0, RU), pl.ds(0, DW - DH)],
                table_sh.at[pl.ds(u * RU, RU), pl.ds(DH, DW - DH)], ssem.at[2]),
        )

    def init_unit(k, carry):
        u = sid + NS * k

        @pl.when(u < NUNIT)
        def _():
            for d in init_descs(u):
                d.start()
        return carry
    lax.fori_loop(0, (NUNIT + NS - 1) // NS, init_unit, 0)

    def init_drain(k, carry):
        u = sid + NS * k

        @pl.when(u < NUNIT)
        def _():
            for d in init_descs(u):
                d.wait()
        return carry
    lax.fori_loop(0, (NUNIT + NS - 1) // NS, init_drain, 0)

    plsc.subcore_barrier()

    mask = jnp.full((16,), (1 << SHIFT) - 1, jnp.int32)

    def unpack(j, slot):
        for q in range(CH // 16):
            p = packed_v[j, pl.ds(q * 16, 16)]
            src_c[slot, pl.ds(q * 16, 16)] = p & mask
            dst_c[slot, pl.ds(q * 16, 16)] = jax.lax.shift_right_logical(p, SHIFT)

    def gather(slot):
        return pltpu.make_async_copy(table_sh.at[src_c.at[slot]],
                                     rows_v.at[slot], gsem.at[slot])

    def acc_desc(slot):
        return pltpu.make_async_copy(rows_v.at[slot],
                                     acc_sh.at[dst_c.at[slot]], ssem.at[slot])

    def step(j, carry):
        s = j & 3

        @pl.when(j == HALF)
        def _():
            pltpu.sync_copy(packed_hbm.at[sid, 1], packed_v)

        @pl.when(j < NCHUNK)
        def _():
            @pl.when(j >= 4)
            def _():
                acc_desc(s).wait()
            jj = lax.rem(j, HALF)
            unpack(jj, s)
            gather(s).start()

        @pl.when(j >= 2)
        def _():
            sp = (j - 2) & 3
            gather(sp).wait()
            pltpu.async_copy(rows_v.at[sp], acc_sh.at[dst_c.at[sp]],
                             ssem.at[sp], add=True)
        return carry
    lax.fori_loop(0, NCHUNK + 2, step, 0)

    def drain(t, carry):
        acc_desc((NCHUNK - 4 + t) & 3).wait()
        return carry
    lax.fori_loop(0, 4, drain, 0)

    plsc.subcore_barrier()

    def out_desc(u):
        return pltpu.make_async_copy(acc_sh.at[pl.ds(u * RU, RU)],
                                     out_sum.at[cid, pl.ds(u * RU, RU)],
                                     ssem.at[0])

    def writeout(k, carry):
        u = sid + NS * k

        @pl.when(u < NUNIT)
        def _():
            out_desc(u).start()
        return carry
    lax.fori_loop(0, (NUNIT + NS - 1) // NS, writeout, 0)

    def writeout_drain(k, carry):
        u = sid + NS * k

        @pl.when(u < NUNIT)
        def _():
            out_desc(u).wait()
        return carry
    lax.fori_loop(0, (NUNIT + NS - 1) // NS, writeout_drain, 0)


_sc_segsum = pl.kernel(
    _sc_body,
    out_type=jax.ShapeDtypeStruct((NC, N, DW), jnp.float32),
    mesh=plsc.VectorSubcoreMesh(core_axis_name="c", subcore_axis_name="s"),
    compiler_params=pltpu.CompilerParams(use_tc_tiling_on_sc=False),
    scratch_types=[
        pltpu.VMEM((HALF, CH), jnp.int32),
        pltpu.VMEM((4, CH), jnp.int32),
        pltpu.VMEM((4, CH), jnp.int32),
        pltpu.VMEM((4, CH, DW), jnp.float32),
        pltpu.VMEM_SHARED((N, DW), jnp.float32),
        pltpu.VMEM_SHARED((N, DW), jnp.float32),
        pltpu.SemaphoreType.DMA((4,)),
        pltpu.SemaphoreType.DMA((4,)),
    ],
)


def _tc_body(ps_ref, feat_ref, w_ref, b_ref, g_ref, be_ref, out_ref):
    p0 = ps_ref[0]
    p1 = ps_ref[1]
    summed = jnp.concatenate([p0[:, :DH], p1[:, :DH]], axis=1)
    deg = p0[:, DH:DH + 1]
    h = summed / jnp.maximum(deg, 1.0)
    z = lax.dot_general(h, w_ref[...],
                        dimension_numbers=(((1,), (1,)), ((), ())),
                        preferred_element_type=jnp.float32)
    z = z + b_ref[...]
    mean = jnp.mean(z, axis=0, keepdims=True)
    c = z - mean
    var = jnp.mean(c * c, axis=0, keepdims=True)
    zn = c / jnp.sqrt(var + EPS) * g_ref[...] + be_ref[...]
    out_ref[...] = feat_ref[...] + jnp.maximum(zn, 0.0)


def kernel(feature, edge_index, W, b, gamma, beta):
    packed = (edge_index[0] | (edge_index[1] << SHIFT)).reshape(NS, 2, HALF, CH)
    ps = _sc_segsum(feature, packed)
    return pl.pallas_call(
        _tc_body,
        out_shape=jax.ShapeDtypeStruct((N, D), jnp.float32),
    )(ps, feature, W, b.reshape(1, D), gamma.reshape(1, D),
      beta.reshape(1, D))

# --- scband reference (transcript-rebuilt; emitter-appended) ---
"""Pipeline reference for scband-gcnlayer-13271448944838 (READ-ONLY COPY).

The authoritative reference and input builder live on the scoring server;
editing this copy changes nothing except your own understanding.
"""

import jax, jax.numpy as jnp
import numpy as np

N = 10000
D_IN = 128
D_OUT = 128
E = 320000
EPS = 1e-5

def setup_inputs(seed: int = 0) -> dict:
    key = jax.random.key(seed)
    k1, k2, k3 = jax.random.split(key, 3)
    feature = jax.random.normal(k1, (N, D_IN), dtype=jnp.float32)
    edge_index = jax.random.randint(k2, (2, E), 0, N, dtype=jnp.int32)
    W = jax.random.normal(k3, (D_OUT, D_IN), dtype=jnp.float32) * (1.0 / np.sqrt(D_IN))
    b = jnp.zeros((D_OUT,), dtype=jnp.float32)
    gamma = jnp.ones((D_OUT,), dtype=jnp.float32)
    beta = jnp.zeros((D_OUT,), dtype=jnp.float32)
    return {"feature": feature, "edge_index": edge_index, "W": W, "b": b, "gamma": gamma, "beta": beta}

def reference(feature, edge_index, W, b, gamma, beta):
    src = edge_index[0]
    dst = edge_index[1]
    # message: copy_src h -> m ; reduce: mean over incoming edges
    msgs = jnp.take(feature, src, axis=0)
    summed = jax.ops.segment_sum(msgs, dst, num_segments=N)
    deg = jax.ops.segment_sum(jnp.ones((E,), dtype=feature.dtype), dst, num_segments=N)
    h = summed / jnp.maximum(deg, 1.0)[:, None]
    # NodeApplyModule: linear
    h = h @ W.T + b
    # BatchNorm1d (training-mode batch statistics, biased variance)
    mean = jnp.mean(h, axis=0)
    var = jnp.var(h, axis=0)
    h = (h - mean) / jnp.sqrt(var + EPS) * gamma + beta
    # activation
    h = jax.nn.relu(h)
    # residual (in_dim == out_dim so residual is active)
    h = feature + h
    # dropout p=0.0 -> identity
    return h

if __name__ == "__main__":
    import jax
    _d = setup_inputs()
    print(jax.jit(kernel)(*tuple(_d.values())))

</pallas_src>

<mosaic_0001>
#map = affine_map<(d0, d1) -> (0, 0)>
#map1 = affine_map<(d0, d1) -> (0, 0, 0, 0)>
#map2 = affine_map<(d0, d1) -> (0, 0, 0)>
module attributes {stable_mosaic.version = 14 : i64} {
  func.func @_sc_body(%arg0: i32, %arg1: i32, %arg2: memref<10000x128xf32, #tpu.memory_space<hbm>>, %arg3: memref<16x2x125x80xi32, #tpu.memory_space<hbm>>, %arg4: memref<2x10000x72xf32, #tpu.memory_space<hbm>>, %arg5: memref<125x80xi32, #tpu.memory_space<vmem>>, %arg6: memref<4x80xi32, #tpu.memory_space<vmem>>, %arg7: memref<4x80xi32, #tpu.memory_space<vmem>>, %arg8: memref<4x80x72xf32, #tpu.memory_space<vmem>>, %arg9: memref<10000x72xf32, #tpu.memory_space<vmem_shared>>, %arg10: memref<10000x72xf32, #tpu.memory_space<vmem_shared>>, %arg11: memref<4x!tpu.dma_semaphore, #tpu.memory_space<semaphore_mem>>, %arg12: memref<4x!tpu.dma_semaphore, #tpu.memory_space<semaphore_mem>>) attributes {dimension_semantics = [#tpu.dimension_semantics<core_parallel>, #tpu.dimension_semantics<subcore_parallel>], iteration_bounds = array<i64: 2, 16>, scalar_prefetch = 0 : i64, scratch_operands = 8 : i64, tpu.core_type = #tpu.core_type<sc_vector_subcore>, window_params = [{transform_indices = #map}, {transform_indices = #map1}, {transform_indices = #map2}]} {
    %run_scoped3A = arith.constant 0 : i32
    "tpu.region"() ({
      %run_scoped3A_47 = tpu.sem_alloc : memref<!tpu.dma_semaphore, #tpu.memory_space<semaphore_mem>>
      %dma_start3A = arith.constant 0 : i32
      %dma_start3A_48 = arith.constant 0 : i32
      %dma_start3A_49 = tpu.memref_slice %arg3[%arg1, %run_scoped3A, %dma_start3A, %dma_start3A_48] : memref<16x2x125x80xi32, #tpu.memory_space<hbm>> -> memref<1x1x125x80xi32, #tpu.memory_space<hbm>>
      %dma_start3A_50 = tpu.memref_squeeze %dma_start3A_49 : memref<1x1x125x80xi32, #tpu.memory_space<hbm>> -> memref<125x80xi32, #tpu.memory_space<hbm>>
      %dma_start3A_51 = arith.constant 0 : i32
      %dma_start3A_52 = arith.constant 0 : i32
      %dma_start3A_53 = tpu.memref_slice %arg3[%arg1, %run_scoped3A, %dma_start3A_51, %dma_start3A_52] : memref<16x2x125x80xi32, #tpu.memory_space<hbm>> -> memref<1x1x125x80xi32, #tpu.memory_space<hbm>>
      %dma_start3A_54 = tpu.memref_squeeze %dma_start3A_53 : memref<1x1x125x80xi32, #tpu.memory_space<hbm>> -> memref<125x80xi32, #tpu.memory_space<hbm>>
      tpu.enqueue_dma source(%dma_start3A_54 : memref<125x80xi32, #tpu.memory_space<hbm>>) target(%arg5 : memref<125x80xi32, #tpu.memory_space<vmem>>) target_semaphore(%run_scoped3A_47 : memref<!tpu.dma_semaphore, #tpu.memory_space<semaphore_mem>>)
      %dma_wait3A = arith.constant 0 : i32
      %dma_wait3A_55 = arith.constant 0 : i32
      %dma_wait3A_56 = tpu.memref_slice %arg3[%arg1, %run_scoped3A, %dma_wait3A, %dma_wait3A_55] : memref<16x2x125x80xi32, #tpu.memory_space<hbm>> -> memref<1x1x125x80xi32, #tpu.memory_space<hbm>>
      %dma_wait3A_57 = tpu.memref_squeeze %dma_wait3A_56 : memref<1x1x125x80xi32, #tpu.memory_space<hbm>> -> memref<125x80xi32, #tpu.memory_space<hbm>>
      %dma_wait3A_58 = arith.constant 0 : i32
      %dma_wait3A_59 = arith.constant 0 : i32
      %dma_wait3A_60 = tpu.memref_slice %arg3[%arg1, %run_scoped3A, %dma_wait3A_58, %dma_wait3A_59] : memref<16x2x125x80xi32, #tpu.memory_space<hbm>> -> memref<1x1x125x80xi32, #tpu.memory_space<hbm>>
      %dma_wait3A_61 = tpu.memref_squeeze %dma_wait3A_60 : memref<1x1x125x80xi32, #tpu.memory_space<hbm>> -> memref<125x80xi32, #tpu.memory_space<hbm>>
      tpu.wait_dma2 semaphore(%run_scoped3A_47 : memref<!tpu.dma_semaphore, #tpu.memory_space<semaphore_mem>>) src(%dma_wait3A_61 : memref<125x80xi32, #tpu.memory_space<hbm>>) dst(%arg5 : memref<125x80xi32, #tpu.memory_space<vmem>>)
      tpu.yield
    }) : () -> ()
    %broadcast_in_dim3A = arith.constant 0.000000e+00 : f32
    %broadcast_in_dim3A_0 = vector.broadcast %broadcast_in_dim3A : f32 to vector<16xf32>
    %broadcast_in_dim3A_1 = arith.constant 1.000000e+00 : f32
    %broadcast_in_dim3A_2 = vector.broadcast %broadcast_in_dim3A_1 : f32 to vector<16xf32>
    %scan3A = arith.constant 0 : i32
    %scan3A_3 = arith.constant 0 : i32
    %scan3A_4 = arith.constant 80 : i32
    %scan3A_5 = arith.addi %scan3A_3, %scan3A_4 : i32
    %scan3A_6 = arith.constant 1 : i32
    scf.for %scan3A_47 = %scan3A_3 to %scan3A_5 step %scan3A_6  : i32 {
      %swap3A = arith.constant 0 : i32
      %swap3A_48 = arith.index_cast %swap3A : i32 to index
      %swap3A_49 = arith.index_cast %scan3A_47 : i32 to index
      %swap3A_50 = arith.constant 0 : index
      %swap3A_51 = tpu.vector_load %arg8[%swap3A_48, %swap3A_49, %swap3A_50] {strides = array<i32>} : memref<4x80x72xf32, #tpu.memory_space<vmem>>, vector<1x1x16xf32>,
      %swap3A_52 = vector.shape_cast %swap3A_51 : vector<1x1x16xf32> to vector<16xf32>
      %swap3A_53 = vector.shape_cast %broadcast_in_dim3A_0 : vector<16xf32> to vector<1x1x16xf32>
      tpu.vector_store %arg8[%swap3A_48, %swap3A_49, %swap3A_50], %swap3A_53 {strides = array<i32>} : memref<4x80x72xf32, #tpu.memory_space<vmem>>, vector<1x1x16xf32>,
      %swap3A_54 = arith.constant 0 : i32
      %swap3A_55 = arith.index_cast %swap3A_54 : i32 to index
      %swap3A_56 = arith.index_cast %scan3A_47 : i32 to index
      %swap3A_57 = arith.constant 16 : index
      %swap3A_58 = tpu.vector_load %arg8[%swap3A_55, %swap3A_56, %swap3A_57] {strides = array<i32>} : memref<4x80x72xf32, #tpu.memory_space<vmem>>, vector<1x1x16xf32>,
      %swap3A_59 = vector.shape_cast %swap3A_58 : vector<1x1x16xf32> to vector<16xf32>
      %swap3A_60 = vector.shape_cast %broadcast_in_dim3A_0 : vector<16xf32> to vector<1x1x16xf32>
      tpu.vector_store %arg8[%swap3A_55, %swap3A_56, %swap3A_57], %swap3A_60 {strides = array<i32>} : memref<4x80x72xf32, #tpu.memory_space<vmem>>, vector<1x1x16xf32>,
      %swap3A_61 = arith.constant 0 : i32
      %swap3A_62 = arith.index_cast %swap3A_61 : i32 to index
      %swap3A_63 = arith.index_cast %scan3A_47 : i32 to index
      %swap3A_64 = arith.constant 32 : index
      %swap3A_65 = tpu.vector_load %arg8[%swap3A_62, %swap3A_63, %swap3A_64] {strides = array<i32>} : memref<4x80x72xf32, #tpu.memory_space<vmem>>, vector<1x1x16xf32>,
      %swap3A_66 = vector.shape_cast %swap3A_65 : vector<1x1x16xf32> to vector<16xf32>
      %swap3A_67 = vector.shape_cast %broadcast_in_dim3A_0 : vector<16xf32> to vector<1x1x16xf32>
      tpu.vector_store %arg8[%swap3A_62, %swap3A_63, %swap3A_64], %swap3A_67 {strides = array<i32>} : memref<4x80x72xf32, #tpu.memory_space<vmem>>, vector<1x1x16xf32>,
      %swap3A_68 = arith.constant 0 : i32
      %swap3A_69 = arith.index_cast %swap3A_68 : i32 to index
      %swap3A_70 = arith.index_cast %scan3A_47 : i32 to index
      %swap3A_71 = arith.constant 48 : index
      %swap3A_72 = tpu.vector_load %arg8[%swap3A_69, %swap3A_70, %swap3A_71] {strides = array<i32>} : memref<4x80x72xf32, #tpu.memory_space<vmem>>, vector<1x1x16xf32>,
      %swap3A_73 = vector.shape_cast %swap3A_72 : vector<1x1x16xf32> to vector<16xf32>
      %swap3A_74 = vector.shape_cast %broadcast_in_dim3A_0 : vector<16xf32> to vector<1x1x16xf32>
      tpu.vector_store %arg8[%swap3A_69, %swap3A_70, %swap3A_71], %swap3A_74 {strides = array<i32>} : memref<4x80x72xf32, #tpu.memory_space<vmem>>, vector<1x1x16xf32>,
      %swap3A_75 = arith.constant 0 : i32
      %swap3A_76 = arith.index_cast %swap3A_75 : i32 to index
      %swap3A_77 = arith.index_cast %scan3A_47 : i32 to index
      %swap3A_78 = arith.constant 56 : index
      %swap3A_79 = tpu.vector_load %arg8[%swap3A_76, %swap3A_77, %swap3A_78] {strides = array<i32>} : memref<4x80x72xf32, #tpu.memory_space<vmem>>, vector<1x1x16xf32>,
      %swap3A_80 = vector.shape_cast %swap3A_79 : vector<1x1x16xf32> to vector<16xf32>
      %swap3A_81 = vector.shape_cast %broadcast_in_dim3A_0 : vector<16xf32> to vector<1x1x16xf32>
      tpu.vector_store %arg8[%swap3A_76, %swap3A_77, %swap3A_78], %swap3A_81 {strides = array<i32>} : memref<4x80x72xf32, #tpu.memory_space<vmem>>, vector<1x1x16xf32>,
      %swap3A_82 = arith.constant 1 : i32
      %swap3A_83 = arith.index_cast %swap3A_82 : i32 to index
      %swap3A_84 = arith.index_cast %scan3A_47 : i32 to index
      %swap3A_85 = arith.constant 0 : index
      %swap3A_86 = tpu.vector_load %arg8[%swap3A_83, %swap3A_84, %swap3A_85] {strides = array<i32>} : memref<4x80x72xf32, #tpu.memory_space<vmem>>, vector<1x1x16xf32>,
      %swap3A_87 = vector.shape_cast %swap3A_86 : vector<1x1x16xf32> to vector<16xf32>
      %swap3A_88 = vector.shape_cast %broadcast_in_dim3A_2 : vector<16xf32> to vector<1x1x16xf32>
      tpu.vector_store %arg8[%swap3A_83, %swap3A_84, %swap3A_85], %swap3A_88 {strides = array<i32>} : memref<4x80x72xf32, #tpu.memory_space<vmem>>, vector<1x1x16xf32>,
    }
    %scan3A_7 = arith.constant 80 : i32
    %scan3A_8 = arith.constant 0 : i32
    %scan3A_9 = arith.constant 0 : i32
    %scan3A_10 = arith.constant 8 : i32
    %scan3A_11 = arith.addi %scan3A_9, %scan3A_10 : i32
    %scan3A_12 = arith.constant 1 : i32
    scf.for %scan3A_47 = %scan3A_9 to %scan3A_11 step %scan3A_12  : i32 {
      %mul3A = arith.constant 16 : i32
      %mul3A_48 = arith.muli %mul3A, %scan3A_47 : i32
      %add3A = arith.addi %arg1, %mul3A_48 : i32
      %lt3A = arith.constant 125 : i32
      %lt3A_49 = arith.cmpi slt, %add3A, %lt3A : i32
      %convert_element_type3A = arith.extui %lt3A_49 : i1 to i32
      %cond3A = arith.constant 0 : i32
      %cond3A_50 = arith.cmpi ne, %convert_element_type3A, %cond3A : i32
      scf.if %cond3A_50 {
        %mul3A_51 = arith.constant 80 : i32
        %mul3A_52 = arith.muli %add3A, %mul3A_51 : i32
        %mul3A_53 = arith.constant 80 : i32
        %mul3A_54 = arith.muli %add3A, %mul3A_53 : i32
        %mul3A_55 = arith.constant 64 : i32
        %mul3A_56 = arith.muli %arg0, %mul3A_55 : i32
        %mul3A_57 = arith.constant 80 : i32
        %mul3A_58 = arith.muli %add3A, %mul3A_57 : i32
        %mul3A_59 = arith.constant 80 : i32
        %mul3A_60 = arith.muli %add3A, %mul3A_59 : i32
        %dma_start3A = arith.constant 0 : i32
        %dma_start3A_61 = arith.constant 0 : i32
        %dma_start3A_62 = arith.constant 0 : i32
        %dma_start3A_63 = arith.constant 0 : i32
        %dma_start3A_64 = tpu.memref_slice %arg8[%dma_start3A, %dma_start3A_62, %dma_start3A_63] : memref<4x80x72xf32, #tpu.memory_space<vmem>> -> memref<1x80x72xf32, #tpu.memory_space<vmem>>
        %dma_start3A_65 = tpu.memref_squeeze %dma_start3A_64 : memref<1x80x72xf32, #tpu.memory_space<vmem>> -> memref<80x72xf32, #tpu.memory_space<vmem>>
        %dma_start3A_66 = arith.constant 0 : i32
        %dma_start3A_67 = tpu.memref_slice %arg10[%mul3A_52, %dma_start3A_66] : memref<10000x72xf32, #tpu.memory_space<vmem_shared>> -> memref<80x72xf32, #tpu.memory_space<vmem_shared>>
        %dma_start3A_68 = tpu.memref_slice %arg12[%dma_start3A_61] : memref<4x!tpu.dma_semaphore, #tpu.memory_space<semaphore_mem>> -> memref<1x!tpu.dma_semaphore, #tpu.memory_space<semaphore_mem>>
        %dma_start3A_69 = tpu.memref_squeeze %dma_start3A_68 : memref<1x!tpu.dma_semaphore, #tpu.memory_space<semaphore_mem>> -> memref<!tpu.dma_semaphore, #tpu.memory_space<semaphore_mem>>
        %dma_start3A_70 = arith.constant 0 : i32
        %dma_start3A_71 = tpu.memref_slice %arg10[%mul3A_52, %dma_start3A_70] : memref<10000x72xf32, #tpu.memory_space<vmem_shared>> -> memref<80x72xf32, #tpu.memory_space<vmem_shared>>
        %dma_start3A_72 = arith.constant 0 : i32
        %dma_start3A_73 = arith.constant 0 : i32
        %dma_start3A_74 = tpu.memref_slice %arg8[%dma_start3A, %dma_start3A_72, %dma_start3A_73] : memref<4x80x72xf32, #tpu.memory_space<vmem>> -> memref<1x80x72xf32, #tpu.memory_space<vmem>>
        %dma_start3A_75 = tpu.memref_squeeze %dma_start3A_74 : memref<1x80x72xf32, #tpu.memory_space<vmem>> -> memref<80x72xf32, #tpu.memory_space<vmem>>
        tpu.enqueue_dma source(%dma_start3A_75 : memref<80x72xf32, #tpu.memory_space<vmem>>) target(%dma_start3A_71 : memref<80x72xf32, #tpu.memory_space<vmem_shared>>) target_semaphore(%dma_start3A_69 : memref<!tpu.dma_semaphore, #tpu.memory_space<semaphore_mem>>)
        %dma_start3A_76 = arith.constant 1 : i32
        %dma_start3A_77 = tpu.memref_slice %arg12[%dma_start3A_76] : memref<4x!tpu.dma_semaphore, #tpu.memory_space<semaphore_mem>> -> memref<1x!tpu.dma_semaphore, #tpu.memory_space<semaphore_mem>>
        %dma_start3A_78 = tpu.memref_squeeze %dma_start3A_77 : memref<1x!tpu.dma_semaphore, #tpu.memory_space<semaphore_mem>> -> memref<!tpu.dma_semaphore, #tpu.memory_space<semaphore_mem>>
        %dma_start3A_79 = arith.constant 0 : i32
        %dma_start3A_80 = tpu.memref_slice %arg9[%mul3A_58, %dma_start3A_79] : memref<10000x72xf32, #tpu.memory_space<vmem_shared>> -> memref<80x64xf32, #tpu.memory_space<vmem_shared>>
        %dma_start3A_81 = tpu.memref_slice %arg2[%mul3A_54, %mul3A_56] : memref<10000x128xf32, #tpu.memory_space<hbm>> -> memref<80x64xf32, #tpu.memory_space<hbm>>
        tpu.enqueue_dma source(%dma_start3A_81 : memref<80x64xf32, #tpu.memory_space<hbm>>) target(%dma_start3A_80 : memref<80x64xf32, #tpu.memory_space<vmem_shared>>) target_semaphore(%dma_start3A_78 : memref<!tpu.dma_semaphore, #tpu.memory_space<semaphore_mem>>)
        %dma_start3A_82 = arith.constant 1 : i32
        %dma_start3A_83 = arith.constant 2 : i32
        %dma_start3A_84 = arith.constant 0 : i32
        %dma_start3A_85 = arith.constant 0 : i32
        %dma_start3A_86 = tpu.memref_slice %arg8[%dma_start3A_82, %dma_start3A_84, %dma_start3A_85] : memref<4x80x72xf32, #tpu.memory_space<vmem>> -> memref<1x80x8xf32, #tpu.memory_space<vmem>>
        %dma_start3A_87 = tpu.memref_squeeze %dma_start3A_86 : memref<1x80x8xf32, #tpu.memory_space<vmem>> -> memref<80x8xf32, #tpu.memory_space<vmem>>
        %dma_start3A_88 = arith.constant 64 : i32
        %dma_start3A_89 = tpu.memref_slice %arg9[%mul3A_60, %dma_start3A_88] : memref<10000x72xf32, #tpu.memory_space<vmem_shared>> -> memref<80x8xf32, #tpu.memory_space<vmem_shared>>
        %dma_start3A_90 = tpu.memref_slice %arg12[%dma_start3A_83] : memref<4x!tpu.dma_semaphore, #tpu.memory_space<semaphore_mem>> -> memref<1x!tpu.dma_semaphore, #tpu.memory_space<semaphore_mem>>
        %dma_start3A_91 = tpu.memref_squeeze %dma_start3A_90 : memref<1x!tpu.dma_semaphore, #tpu.memory_space<semaphore_mem>> -> memref<!tpu.dma_semaphore, #tpu.memory_space<semaphore_mem>>
        %dma_start3A_92 = arith.constant 64 : i32
        %dma_start3A_93 = tpu.memref_slice %arg9[%mul3A_60, %dma_start3A_92] : memref<10000x72xf32, #tpu.memory_space<vmem_shared>> -> memref<80x8xf32, #tpu.memory_space<vmem_shared>>
        %dma_start3A_94 = arith.constant 0 : i32
        %dma_start3A_95 = arith.constant 0 : i32
        %dma_start3A_96 = tpu.memref_slice %arg8[%dma_start3A_82, %dma_start3A_94, %dma_start3A_95] : memref<4x80x72xf32, #tpu.memory_space<vmem>> -> memref<1x80x8xf32, #tpu.memory_space<vmem>>
        %dma_start3A_97 = tpu.memref_squeeze %dma_start3A_96 : memref<1x80x8xf32, #tpu.memory_space<vmem>> -> memref<80x8xf32, #tpu.memory_space<vmem>>
        tpu.enqueue_dma source(%dma_start3A_97 : memref<80x8xf32, #tpu.memory_space<vmem>>) target(%dma_start3A_93 : memref<80x8xf32, #tpu.memory_space<vmem_shared>>) target_semaphore(%dma_start3A_91 : memref<!tpu.dma_semaphore, #tpu.memory_space<semaphore_mem>>)
      } else {
      }
    }
    %scan3A_13 = arith.constant 8 : i32
    %scan3A_14 = arith.constant 0 : i32
    %scan3A_15 = arith.constant 0 : i32
    %scan3A_16 = arith.constant 8 : i32
    %scan3A_17 = arith.addi %scan3A_15, %scan3A_16 : i32
    %scan3A_18 = arith.constant 1 : i32
    scf.for %scan3A_47 = %scan3A_15 to %scan3A_17 step %scan3A_18  : i32 {
      %mul3A = arith.constant 16 : i32
      %mul3A_48 = arith.muli %mul3A, %scan3A_47 : i32
      %add3A = arith.addi %arg1, %mul3A_48 : i32
      %lt3A = arith.constant 125 : i32
      %lt3A_49 = arith.cmpi slt, %add3A, %lt3A : i32
      %convert_element_type3A = arith.extui %lt3A_49 : i1 to i32
      %cond3A = arith.constant 0 : i32
      %cond3A_50 = arith.cmpi ne, %convert_element_type3A, %cond3A : i32
      scf.if %cond3A_50 {
        %mul3A_51 = arith.constant 80 : i32
        %mul3A_52 = arith.muli %add3A, %mul3A_51 : i32
        %mul3A_53 = arith.constant 80 : i32
        %mul3A_54 = arith.muli %add3A, %mul3A_53 : i32
        %mul3A_55 = arith.constant 64 : i32
        %mul3A_56 = arith.muli %arg0, %mul3A_55 : i32
        %mul3A_57 = arith.constant 80 : i32
        %mul3A_58 = arith.muli %add3A, %mul3A_57 : i32
        %mul3A_59 = arith.constant 80 : i32
        %mul3A_60 = arith.muli %add3A, %mul3A_59 : i32
        %dma_wait3A = arith.constant 0 : i32
        %dma_wait3A_61 = arith.constant 0 : i32
        %dma_wait3A_62 = arith.constant 0 : i32
        %dma_wait3A_63 = arith.constant 0 : i32
        %dma_wait3A_64 = tpu.memref_slice %arg8[%dma_wait3A, %dma_wait3A_62, %dma_wait3A_63] : memref<4x80x72xf32, #tpu.memory_space<vmem>> -> memref<1x80x72xf32, #tpu.memory_space<vmem>>
        %dma_wait3A_65 = tpu.memref_squeeze %dma_wait3A_64 : memref<1x80x72xf32, #tpu.memory_space<vmem>> -> memref<80x72xf32, #tpu.memory_space<vmem>>
        %dma_wait3A_66 = arith.constant 0 : i32
        %dma_wait3A_67 = tpu.memref_slice %arg10[%mul3A_52, %dma_wait3A_66] : memref<10000x72xf32, #tpu.memory_space<vmem_shared>> -> memref<80x72xf32, #tpu.memory_space<vmem_shared>>
        %dma_wait3A_68 = tpu.memref_slice %arg12[%dma_wait3A_61] : memref<4x!tpu.dma_semaphore, #tpu.memory_space<semaphore_mem>> -> memref<1x!tpu.dma_semaphore, #tpu.memory_space<semaphore_mem>>
        %dma_wait3A_69 = tpu.memref_squeeze %dma_wait3A_68 : memref<1x!tpu.dma_semaphore, #tpu.memory_space<semaphore_mem>> -> memref<!tpu.dma_semaphore, #tpu.memory_space<semaphore_mem>>
        %dma_wait3A_70 = arith.constant 0 : i32
        %dma_wait3A_71 = tpu.memref_slice %arg10[%mul3A_52, %dma_wait3A_70] : memref<10000x72xf32, #tpu.memory_space<vmem_shared>> -> memref<80x72xf32, #tpu.memory_space<vmem_shared>>
        %dma_wait3A_72 = arith.constant 0 : i32
        %dma_wait3A_73 = arith.constant 0 : i32
        %dma_wait3A_74 = tpu.memref_slice %arg8[%dma_wait3A, %dma_wait3A_72, %dma_wait3A_73] : memref<4x80x72xf32, #tpu.memory_space<vmem>> -> memref<1x80x72xf32, #tpu.memory_space<vmem>>
        %dma_wait3A_75 = tpu.memref_squeeze %dma_wait3A_74 : memref<1x80x72xf32, #tpu.memory_space<vmem>> -> memref<80x72xf32, #tpu.memory_space<vmem>>
        tpu.wait_dma2 semaphore(%dma_wait3A_69 : memref<!tpu.dma_semaphore, #tpu.memory_space<semaphore_mem>>) src(%dma_wait3A_75 : memref<80x72xf32, #tpu.memory_space<vmem>>) dst(%dma_wait3A_71 : memref<80x72xf32, #tpu.memory_space<vmem_shared>>)
        %dma_wait3A_76 = arith.constant 1 : i32
        %dma_wait3A_77 = tpu.memref_slice %arg12[%dma_wait3A_76] : memref<4x!tpu.dma_semaphore, #tpu.memory_space<semaphore_mem>> -> memref<1x!tpu.dma_semaphore, #tpu.memory_space<semaphore_mem>>
        %dma_wait3A_78 = tpu.memref_squeeze %dma_wait3A_77 : memref<1x!tpu.dma_semaphore, #tpu.memory_space<semaphore_mem>> -> memref<!tpu.dma_semaphore, #tpu.memory_space<semaphore_mem>>
        %dma_wait3A_79 = arith.constant 0 : i32
        %dma_wait3A_80 = tpu.memref_slice %arg9[%mul3A_58, %dma_wait3A_79] : memref<10000x72xf32, #tpu.memory_space<vmem_shared>> -> memref<80x64xf32, #tpu.memory_space<vmem_shared>>
        %dma_wait3A_81 = tpu.memref_slice %arg2[%mul3A_54, %mul3A_56] : memref<10000x128xf32, #tpu.memory_space<hbm>> -> memref<80x64xf32, #tpu.memory_space<hbm>>
        tpu.wait_dma2 semaphore(%dma_wait3A_78 : memref<!tpu.dma_semaphore, #tpu.memory_space<semaphore_mem>>) src(%dma_wait3A_81 : memref<80x64xf32, #tpu.memory_space<hbm>>) dst(%dma_wait3A_80 : memref<80x64xf32, #tpu.memory_space<vmem_shared>>)
        %dma_wait3A_82 = arith.constant 1 : i32
        %dma_wait3A_83 = arith.constant 2 : i32
        %dma_wait3A_84 = arith.constant 0 : i32
        %dma_wait3A_85 = arith.constant 0 : i32
        %dma_wait3A_86 = tpu.memref_slice %arg8[%dma_wait3A_82, %dma_wait3A_84, %dma_wait3A_85] : memref<4x80x72xf32, #tpu.memory_space<vmem>> -> memref<1x80x8xf32, #tpu.memory_space<vmem>>
        %dma_wait3A_87 = tpu.memref_squeeze %dma_wait3A_86 : memref<1x80x8xf32, #tpu.memory_space<vmem>> -> memref<80x8xf32, #tpu.memory_space<vmem>>
        %dma_wait3A_88 = arith.constant 64 : i32
        %dma_wait3A_89 = tpu.memref_slice %arg9[%mul3A_60, %dma_wait3A_88] : memref<10000x72xf32, #tpu.memory_space<vmem_shared>> -> memref<80x8xf32, #tpu.memory_space<vmem_shared>>
        %dma_wait3A_90 = tpu.memref_slice %arg12[%dma_wait3A_83] : memref<4x!tpu.dma_semaphore, #tpu.memory_space<semaphore_mem>> -> memref<1x!tpu.dma_semaphore, #tpu.memory_space<semaphore_mem>>
        %dma_wait3A_91 = tpu.memref_squeeze %dma_wait3A_90 : memref<1x!tpu.dma_semaphore, #tpu.memory_space<semaphore_mem>> -> memref<!tpu.dma_semaphore, #tpu.memory_space<semaphore_mem>>
        %dma_wait3A_92 = arith.constant 64 : i32
        %dma_wait3A_93 = tpu.memref_slice %arg9[%mul3A_60, %dma_wait3A_92] : memref<10000x72xf32, #tpu.memory_space<vmem_shared>> -> memref<80x8xf32, #tpu.memory_space<vmem_shared>>
        %dma_wait3A_94 = arith.constant 0 : i32
        %dma_wait3A_95 = arith.constant 0 : i32
        %dma_wait3A_96 = tpu.memref_slice %arg8[%dma_wait3A_82, %dma_wait3A_94, %dma_wait3A_95] : memref<4x80x72xf32, #tpu.memory_space<vmem>> -> memref<1x80x8xf32, #tpu.memory_space<vmem>>
        %dma_wait3A_97 = tpu.memref_squeeze %dma_wait3A_96 : memref<1x80x8xf32, #tpu.memory_space<vmem>> -> memref<80x8xf32, #tpu.memory_space<vmem>>
        tpu.wait_dma2 semaphore(%dma_wait3A_91 : memref<!tpu.dma_semaphore, #tpu.memory_space<semaphore_mem>>) src(%dma_wait3A_97 : memref<80x8xf32, #tpu.memory_space<vmem>>) dst(%dma_wait3A_93 : memref<80x8xf32, #tpu.memory_space<vmem_shared>>)
      } else {
      }
    }
    %scan3A_19 = arith.constant 8 : i32
    %barrier3A = arith.constant 0 : index
    tpu.barrier barrier_id(%barrier3A)
    %broadcast_in_dim3A_20 = arith.constant 16383 : i32
    %broadcast_in_dim3A_21 = vector.broadcast %broadcast_in_dim3A_20 : i32 to vector<16xi32>
    %scan3A_22 = arith.constant 0 : i32
    %scan3A_23 = arith.constant 0 : i32
    %scan3A_24 = arith.constant 252 : i32
    %scan3A_25 = arith.addi %scan3A_23, %scan3A_24 : i32
    %scan3A_26 = arith.constant 1 : i32
    scf.for %scan3A_47 = %scan3A_23 to %scan3A_25 step %scan3A_26  : i32 {
      %and3A = arith.constant 3 : i32
      %and3A_48 = arith.andi %scan3A_47, %and3A : i32
      %eq3A = arith.constant 125 : i32
      %eq3A_49 = arith.cmpi eq, %scan3A_47, %eq3A : i32
      %convert_element_type3A = arith.extui %eq3A_49 : i1 to i32
      %cond3A = arith.constant 0 : i32
      %cond3A_50 = arith.cmpi ne, %convert_element_type3A, %cond3A : i32
      scf.if %cond3A_50 {
        %run_scoped3A_59 = arith.constant 1 : i32
        "tpu.region"() ({
          %run_scoped3A_60 = tpu.sem_alloc : memref<!tpu.dma_semaphore, #tpu.memory_space<semaphore_mem>>
          %dma_start3A = arith.constant 0 : i32
          %dma_start3A_61 = arith.constant 0 : i32
          %dma_start3A_62 = tpu.memref_slice %arg3[%arg1, %run_scoped3A_59, %dma_start3A, %dma_start3A_61] : memref<16x2x125x80xi32, #tpu.memory_space<hbm>> -> memref<1x1x125x80xi32, #tpu.memory_space<hbm>>
          %dma_start3A_63 = tpu.memref_squeeze %dma_start3A_62 : memref<1x1x125x80xi32, #tpu.memory_space<hbm>> -> memref<125x80xi32, #tpu.memory_space<hbm>>
          %dma_start3A_64 = arith.constant 0 : i32
          %dma_start3A_65 = arith.constant 0 : i32
          %dma_start3A_66 = tpu.memref_slice %arg3[%arg1, %run_scoped3A_59, %dma_start3A_64, %dma_start3A_65] : memref<16x2x125x80xi32, #tpu.memory_space<hbm>> -> memref<1x1x125x80xi32, #tpu.memory_space<hbm>>
          %dma_start3A_67 = tpu.memref_squeeze %dma_start3A_66 : memref<1x1x125x80xi32, #tpu.memory_space<hbm>> -> memref<125x80xi32, #tpu.memory_space<hbm>>
          tpu.enqueue_dma source(%dma_start3A_67 : memref<125x80xi32, #tpu.memory_space<hbm>>) target(%arg5 : memref<125x80xi32, #tpu.memory_space<vmem>>) target_semaphore(%run_scoped3A_60 : memref<!tpu.dma_semaphore, #tpu.memory_space<semaphore_mem>>)
          %dma_wait3A = arith.constant 0 : i32
          %dma_wait3A_68 = arith.constant 0 : i32
          %dma_wait3A_69 = tpu.memref_slice %arg3[%arg1, %run_scoped3A_59, %dma_wait3A, %dma_wait3A_68] : memref<16x2x125x80xi32, #tpu.memory_space<hbm>> -> memref<1x1x125x80xi32, #tpu.memory_space<hbm>>
          %dma_wait3A_70 = tpu.memref_squeeze %dma_wait3A_69 : memref<1x1x125x80xi32, #tpu.memory_space<hbm>> -> memref<125x80xi32, #tpu.memory_space<hbm>>
          %dma_wait3A_71 = arith.constant 0 : i32
          %dma_wait3A_72 = arith.constant 0 : i32
          %dma_wait3A_73 = tpu.memref_slice %arg3[%arg1, %run_scoped3A_59, %dma_wait3A_71, %dma_wait3A_72] : memref<16x2x125x80xi32, #tpu.memory_space<hbm>> -> memref<1x1x125x80xi32, #tpu.memory_space<hbm>>
          %dma_wait3A_74 = tpu.memref_squeeze %dma_wait3A_73 : memref<1x1x125x80xi32, #tpu.memory_space<hbm>> -> memref<125x80xi32, #tpu.memory_space<hbm>>
          tpu.wait_dma2 semaphore(%run_scoped3A_60 : memref<!tpu.dma_semaphore, #tpu.memory_space<semaphore_mem>>) src(%dma_wait3A_74 : memref<125x80xi32, #tpu.memory_space<hbm>>) dst(%arg5 : memref<125x80xi32, #tpu.memory_space<vmem>>)
          tpu.yield
        }) : () -> ()
      } else {
      }
      %lt3A = arith.constant 250 : i32
      %lt3A_51 = arith.cmpi slt, %scan3A_47, %lt3A : i32
      %convert_element_type3A_52 = arith.extui %lt3A_51 : i1 to i32
      %cond3A_53 = arith.constant 0 : i32
      %cond3A_54 = arith.cmpi ne, %convert_element_type3A_52, %cond3A_53 : i32
      scf.if %cond3A_54 {
        %ge3A_59 = arith.constant 4 : i32
        %ge3A_60 = arith.cmpi sge, %scan3A_47, %ge3A_59 : i32
        %convert_element_type3A_61 = arith.extui %ge3A_60 : i1 to i32
        %cond3A_62 = arith.constant 0 : i32
        %cond3A_63 = arith.cmpi ne, %convert_element_type3A_61, %cond3A_62 : i32
        scf.if %cond3A_63 {
          %dma_wait3A = arith.constant 0 : i32
          %dma_wait3A_163 = arith.constant 0 : i32
          %dma_wait3A_164 = tpu.memref_slice %arg8[%and3A_48, %dma_wait3A, %dma_wait3A_163] : memref<4x80x72xf32, #tpu.memory_space<vmem>> -> memref<1x80x72xf32, #tpu.memory_space<vmem>>
          %dma_wait3A_165 = tpu.memref_squeeze %dma_wait3A_164 : memref<1x80x72xf32, #tpu.memory_space<vmem>> -> memref<80x72xf32, #tpu.memory_space<vmem>>
          %dma_wait3A_166 = arith.constant 0 : i32
          %dma_wait3A_167 = tpu.memref_slice %arg7[%and3A_48, %dma_wait3A_166] : memref<4x80xi32, #tpu.memory_space<vmem>> -> memref<1x80xi32, #tpu.memory_space<vmem>>
          %dma_wait3A_168 = tpu.memref_squeeze %dma_wait3A_167 : memref<1x80xi32, #tpu.memory_space<vmem>> -> memref<80xi32, #tpu.memory_space<vmem>>
          %dma_wait3A_169 = arith.constant 0 : i32
          %dma_wait3A_170 = arith.constant 0 : i32
          %dma_wait3A_171 = tpu.memref_slice %arg10[%dma_wait3A_169, %dma_wait3A_170] : memref<10000x72xf32, #tpu.memory_space<vmem_shared>> -> memref<10000x72xf32, #tpu.memory_space<vmem_shared>>
          %dma_wait3A_172 = tpu.memref_slice %arg12[%and3A_48] : memref<4x!tpu.dma_semaphore, #tpu.memory_space<semaphore_mem>> -> memref<1x!tpu.dma_semaphore, #tpu.memory_space<semaphore_mem>>
          %dma_wait3A_173 = tpu.memref_squeeze %dma_wait3A_172 : memref<1x!tpu.dma_semaphore, #tpu.memory_space<semaphore_mem>> -> memref<!tpu.dma_semaphore, #tpu.memory_space<semaphore_mem>>
          tpu.wait_indirect_dma semaphore(%dma_wait3A_173 : memref<!tpu.dma_semaphore, #tpu.memory_space<semaphore_mem>>) src(%dma_wait3A_165 : memref<80x72xf32, #tpu.memory_space<vmem>>) dst(%dma_wait3A_171 : memref<10000x72xf32, #tpu.memory_space<vmem_shared>>)
        } else {
        }
        %rem3A = arith.constant 125 : i32
        %rem3A_64 = arith.remsi %scan3A_47, %rem3A : i32
        %get3A = arith.index_cast %rem3A_64 : i32 to index
        %get3A_65 = arith.constant 0 : index
        %get3A_66 = tpu.vector_load %arg5[%get3A, %get3A_65] {strides = array<i32>} : memref<125x80xi32, #tpu.memory_space<vmem>>, vector<1x16xi32>,
        %get3A_67 = vector.shape_cast %get3A_66 : vector<1x16xi32> to vector<16xi32>
        %and3A_68 = arith.andi %get3A_67, %broadcast_in_dim3A_21 : vector<16xi32>
        %swap3A = arith.index_cast %and3A_48 : i32 to index
        %swap3A_69 = arith.constant 0 : index
        %swap3A_70 = tpu.vector_load %arg6[%swap3A, %swap3A_69] {strides = array<i32>} : memref<4x80xi32, #tpu.memory_space<vmem>>, vector<1x16xi32>,
        %swap3A_71 = vector.shape_cast %swap3A_70 : vector<1x16xi32> to vector<16xi32>
        %swap3A_72 = vector.shape_cast %and3A_68 : vector<16xi32> to vector<1x16xi32>
        tpu.vector_store %arg6[%swap3A, %swap3A_69], %swap3A_72 {strides = array<i32>} : memref<4x80xi32, #tpu.memory_space<vmem>>, vector<1x16xi32>,
        %shift_right_logical3A = arith.constant 14 : i32
        %shift_right_logical3A_73 = vector.broadcast %shift_right_logical3A : i32 to vector<16xi32>
        %shift_right_logical3A_74 = arith.shrui %get3A_67, %shift_right_logical3A_73 : vector<16xi32>
        %swap3A_75 = arith.index_cast %and3A_48 : i32 to index
        %swap3A_76 = arith.constant 0 : index
        %swap3A_77 = tpu.vector_load %arg7[%swap3A_75, %swap3A_76] {strides = array<i32>} : memref<4x80xi32, #tpu.memory_space<vmem>>, vector<1x16xi32>,
        %swap3A_78 = vector.shape_cast %swap3A_77 : vector<1x16xi32> to vector<16xi32>
        %swap3A_79 = vector.shape_cast %shift_right_logical3A_74 : vector<16xi32> to vector<1x16xi32>
        tpu.vector_store %arg7[%swap3A_75, %swap3A_76], %swap3A_79 {strides = array<i32>} : memref<4x80xi32, #tpu.memory_space<vmem>>, vector<1x16xi32>,
        %get3A_80 = arith.index_cast %rem3A_64 : i32 to index
        %get3A_81 = arith.constant 16 : index
        %get3A_82 = tpu.vector_load %arg5[%get3A_80, %get3A_81] {strides = array<i32>} : memref<125x80xi32, #tpu.memory_space<vmem>>, vector<1x16xi32>,
        %get3A_83 = vector.shape_cast %get3A_82 : vector<1x16xi32> to vector<16xi32>
        %and3A_84 = arith.andi %get3A_83, %broadcast_in_dim3A_21 : vector<16xi32>
        %swap3A_85 = arith.index_cast %and3A_48 : i32 to index
        %swap3A_86 = arith.constant 16 : index
        %swap3A_87 = tpu.vector_load %arg6[%swap3A_85, %swap3A_86] {strides = array<i32>} : memref<4x80xi32, #tpu.memory_space<vmem>>, vector<1x16xi32>,
        %swap3A_88 = vector.shape_cast %swap3A_87 : vector<1x16xi32> to vector<16xi32>
        %swap3A_89 = vector.shape_cast %and3A_84 : vector<16xi32> to vector<1x16xi32>
        tpu.vector_store %arg6[%swap3A_85, %swap3A_86], %swap3A_89 {strides = array<i32>} : memref<4x80xi32, #tpu.memory_space<vmem>>, vector<1x16xi32>,
        %shift_right_logical3A_90 = arith.constant 14 : i32
        %shift_right_logical3A_91 = vector.broadcast %shift_right_logical3A_90 : i32 to vector<16xi32>
        %shift_right_logical3A_92 = arith.shrui %get3A_83, %shift_right_logical3A_91 : vector<16xi32>
        %swap3A_93 = arith.index_cast %and3A_48 : i32 to index
        %swap3A_94 = arith.constant 16 : index
        %swap3A_95 = tpu.vector_load %arg7[%swap3A_93, %swap3A_94] {strides = array<i32>} : memref<4x80xi32, #tpu.memory_space<vmem>>, vector<1x16xi32>,
        %swap3A_96 = vector.shape_cast %swap3A_95 : vector<1x16xi32> to vector<16xi32>
        %swap3A_97 = vector.shape_cast %shift_right_logical3A_92 : vector<16xi32> to vector<1x16xi32>
        tpu.vector_store %arg7[%swap3A_93, %swap3A_94], %swap3A_97 {strides = array<i32>} : memref<4x80xi32, #tpu.memory_space<vmem>>, vector<1x16xi32>,
        %get3A_98 = arith.index_cast %rem3A_64 : i32 to index
        %get3A_99 = arith.constant 32 : index
        %get3A_100 = tpu.vector_load %arg5[%get3A_98, %get3A_99] {strides = array<i32>} : memref<125x80xi32, #tpu.memory_space<vmem>>, vector<1x16xi32>,
        %get3A_101 = vector.shape_cast %get3A_100 : vector<1x16xi32> to vector<16xi32>
        %and3A_102 = arith.andi %get3A_101, %broadcast_in_dim3A_21 : vector<16xi32>
        %swap3A_103 = arith.index_cast %and3A_48 : i32 to index
        %swap3A_104 = arith.constant 32 : index
        %swap3A_105 = tpu.vector_load %arg6[%swap3A_103, %swap3A_104] {strides = array<i32>} : memref<4x80xi32, #tpu.memory_space<vmem>>, vector<1x16xi32>,
        %swap3A_106 = vector.shape_cast %swap3A_105 : vector<1x16xi32> to vector<16xi32>
        %swap3A_107 = vector.shape_cast %and3A_102 : vector<16xi32> to vector<1x16xi32>
        tpu.vector_store %arg6[%swap3A_103, %swap3A_104], %swap3A_107 {strides = array<i32>} : memref<4x80xi32, #tpu.memory_space<vmem>>, vector<1x16xi32>,
        %shift_right_logical3A_108 = arith.constant 14 : i32
        %shift_right_logical3A_109 = vector.broadcast %shift_right_logical3A_108 : i32 to vector<16xi32>
        %shift_right_logical3A_110 = arith.shrui %get3A_101, %shift_right_logical3A_109 : vector<16xi32>
        %swap3A_111 = arith.index_cast %and3A_48 : i32 to index
        %swap3A_112 = arith.constant 32 : index
        %swap3A_113 = tpu.vector_load %arg7[%swap3A_111, %swap3A_112] {strides = array<i32>} : memref<4x80xi32, #tpu.memory_space<vmem>>, vector<1x16xi32>,
        %swap3A_114 = vector.shape_cast %swap3A_113 : vector<1x16xi32> to vector<16xi32>
        %swap3A_115 = vector.shape_cast %shift_right_logical3A_110 : vector<16xi32> to vector<1x16xi32>
        tpu.vector_store %arg7[%swap3A_111, %swap3A_112], %swap3A_115 {strides = array<i32>} : memref<4x80xi32, #tpu.memory_space<vmem>>, vector<1x16xi32>,
        %get3A_116 = arith.index_cast %rem3A_64 : i32 to index
        %get3A_117 = arith.constant 48 : index
        %get3A_118 = tpu.vector_load %arg5[%get3A_116, %get3A_117] {strides = array<i32>} : memref<125x80xi32, #tpu.memory_space<vmem>>, vector<1x16xi32>,
        %get3A_119 = vector.shape_cast %get3A_118 : vector<1x16xi32> to vector<16xi32>
        %and3A_120 = arith.andi %get3A_119, %broadcast_in_dim3A_21 : vector<16xi32>
        %swap3A_121 = arith.index_cast %and3A_48 : i32 to index
        %swap3A_122 = arith.constant 48 : index
        %swap3A_123 = tpu.vector_load %arg6[%swap3A_121, %swap3A_122] {strides = array<i32>} : memref<4x80xi32, #tpu.memory_space<vmem>>, vector<1x16xi32>,
        %swap3A_124 = vector.shape_cast %swap3A_123 : vector<1x16xi32> to vector<16xi32>
        %swap3A_125 = vector.shape_cast %and3A_120 : vector<16xi32> to vector<1x16xi32>
        tpu.vector_store %arg6[%swap3A_121, %swap3A_122], %swap3A_125 {strides = array<i32>} : memref<4x80xi32, #tpu.memory_space<vmem>>, vector<1x16xi32>,
        %shift_right_logical3A_126 = arith.constant 14 : i32
        %shift_right_logical3A_127 = vector.broadcast %shift_right_logical3A_126 : i32 to vector<16xi32>
        %shift_right_logical3A_128 = arith.shrui %get3A_119, %shift_right_logical3A_127 : vector<16xi32>
        %swap3A_129 = arith.index_cast %and3A_48 : i32 to index
        %swap3A_130 = arith.constant 48 : index
        %swap3A_131 = tpu.vector_load %arg7[%swap3A_129, %swap3A_130] {strides = array<i32>} : memref<4x80xi32, #tpu.memory_space<vmem>>, vector<1x16xi32>,
        %swap3A_132 = vector.shape_cast %swap3A_131 : vector<1x16xi32> to vector<16xi32>
        %swap3A_133 = vector.shape_cast %shift_right_logical3A_128 : vector<16xi32> to vector<1x16xi32>
        tpu.vector_store %arg7[%swap3A_129, %swap3A_130], %swap3A_133 {strides = array<i32>} : memref<4x80xi32, #tpu.memory_space<vmem>>, vector<1x16xi32>,
        %get3A_134 = arith.index_cast %rem3A_64 : i32 to index
        %get3A_135 = arith.constant 64 : index
        %get3A_136 = tpu.vector_load %arg5[%get3A_134, %get3A_135] {strides = array<i32>} : memref<125x80xi32, #tpu.memory_space<vmem>>, vector<1x16xi32>,
        %get3A_137 = vector.shape_cast %get3A_136 : vector<1x16xi32> to vector<16xi32>
        %and3A_138 = arith.andi %get3A_137, %broadcast_in_dim3A_21 : vector<16xi32>
        %swap3A_139 = arith.index_cast %and3A_48 : i32 to index
        %swap3A_140 = arith.constant 64 : index
        %swap3A_141 = tpu.vector_load %arg6[%swap3A_139, %swap3A_140] {strides = array<i32>} : memref<4x80xi32, #tpu.memory_space<vmem>>, vector<1x16xi32>,
        %swap3A_142 = vector.shape_cast %swap3A_141 : vector<1x16xi32> to vector<16xi32>
        %swap3A_143 = vector.shape_cast %and3A_138 : vector<16xi32> to vector<1x16xi32>
        tpu.vector_store %arg6[%swap3A_139, %swap3A_140], %swap3A_143 {strides = array<i32>} : memref<4x80xi32, #tpu.memory_space<vmem>>, vector<1x16xi32>,
        %shift_right_logical3A_144 = arith.constant 14 : i32
        %shift_right_logical3A_145 = vector.broadcast %shift_right_logical3A_144 : i32 to vector<16xi32>
        %shift_right_logical3A_146 = arith.shrui %get3A_137, %shift_right_logical3A_145 : vector<16xi32>
        %swap3A_147 = arith.index_cast %and3A_48 : i32 to index
        %swap3A_148 = arith.constant 64 : index
        %swap3A_149 = tpu.vector_load %arg7[%swap3A_147, %swap3A_148] {strides = array<i32>} : memref<4x80xi32, #tpu.memory_space<vmem>>, vector<1x16xi32>,
        %swap3A_150 = vector.shape_cast %swap3A_149 : vector<1x16xi32> to vector<16xi32>
        %swap3A_151 = vector.shape_cast %shift_right_logical3A_146 : vector<16xi32> to vector<1x16xi32>
        tpu.vector_store %arg7[%swap3A_147, %swap3A_148], %swap3A_151 {strides = array<i32>} : memref<4x80xi32, #tpu.memory_space<vmem>>, vector<1x16xi32>,
        %dma_start3A = arith.constant 0 : i32
        %dma_start3A_152 = arith.constant 0 : i32
        %dma_start3A_153 = tpu.memref_slice %arg8[%and3A_48, %dma_start3A, %dma_start3A_152] : memref<4x80x72xf32, #tpu.memory_space<vmem>> -> memref<1x80x72xf32, #tpu.memory_space<vmem>>
        %dma_start3A_154 = tpu.memref_squeeze %dma_start3A_153 : memref<1x80x72xf32, #tpu.memory_space<vmem>> -> memref<80x72xf32, #tpu.memory_space<vmem>>
        %dma_start3A_155 = arith.constant 0 : i32
        %dma_start3A_156 = tpu.memref_slice %arg6[%and3A_48, %dma_start3A_155] : memref<4x80xi32, #tpu.memory_space<vmem>> -> memref<1x80xi32, #tpu.memory_space<vmem>>
        %dma_start3A_157 = tpu.memref_squeeze %dma_start3A_156 : memref<1x80xi32, #tpu.memory_space<vmem>> -> memref<80xi32, #tpu.memory_space<vmem>>
        %dma_start3A_158 = arith.constant 0 : i32
        %dma_start3A_159 = arith.constant 0 : i32
        %dma_start3A_160 = tpu.memref_slice %arg9[%dma_start3A_158, %dma_start3A_159] : memref<10000x72xf32, #tpu.memory_space<vmem_shared>> -> memref<10000x72xf32, #tpu.memory_space<vmem_shared>>
        %dma_start3A_161 = tpu.memref_slice %arg11[%and3A_48] : memref<4x!tpu.dma_semaphore, #tpu.memory_space<semaphore_mem>> -> memref<1x!tpu.dma_semaphore, #tpu.memory_space<semaphore_mem>>
        %dma_start3A_162 = tpu.memref_squeeze %dma_start3A_161 : memref<1x!tpu.dma_semaphore, #tpu.memory_space<semaphore_mem>> -> memref<!tpu.dma_semaphore, #tpu.memory_space<semaphore_mem>>
        tpu.enqueue_indirect_dma source(%dma_start3A_160 : memref<10000x72xf32, #tpu.memory_space<vmem_shared>>) target(%dma_start3A_154 : memref<80x72xf32, #tpu.memory_space<vmem>>) offsets(%dma_start3A_157 : memref<80xi32, #tpu.memory_space<vmem>>) semaphore(%dma_start3A_162 : memref<!tpu.dma_semaphore, #tpu.memory_space<semaphore_mem>>)
      } else {
      }
      %ge3A = arith.constant 2 : i32
      %ge3A_55 = arith.cmpi sge, %scan3A_47, %ge3A : i32
      %convert_element_type3A_56 = arith.extui %ge3A_55 : i1 to i32
      %cond3A_57 = arith.constant 0 : i32
      %cond3A_58 = arith.cmpi ne, %convert_element_type3A_56, %cond3A_57 : i32
      scf.if %cond3A_58 {
        %sub3A = arith.constant 2 : i32
        %sub3A_59 = arith.subi %scan3A_47, %sub3A : i32
        %and3A_60 = arith.constant 3 : i32
        %and3A_61 = arith.andi %sub3A_59, %and3A_60 : i32
        %dma_wait3A = arith.constant 0 : i32
        %dma_wait3A_62 = arith.constant 0 : i32
        %dma_wait3A_63 = tpu.memref_slice %arg8[%and3A_61, %dma_wait3A, %dma_wait3A_62] : memref<4x80x72xf32, #tpu.memory_space<vmem>> -> memref<1x80x72xf32, #tpu.memory_space<vmem>>
        %dma_wait3A_64 = tpu.memref_squeeze %dma_wait3A_63 : memref<1x80x72xf32, #tpu.memory_space<vmem>> -> memref<80x72xf32, #tpu.memory_space<vmem>>
        %dma_wait3A_65 = arith.constant 0 : i32
        %dma_wait3A_66 = tpu.memref_slice %arg6[%and3A_61, %dma_wait3A_65] : memref<4x80xi32, #tpu.memory_space<vmem>> -> memref<1x80xi32, #tpu.memory_space<vmem>>
        %dma_wait3A_67 = tpu.memref_squeeze %dma_wait3A_66 : memref<1x80xi32, #tpu.memory_space<vmem>> -> memref<80xi32, #tpu.memory_space<vmem>>
        %dma_wait3A_68 = arith.constant 0 : i32
        %dma_wait3A_69 = arith.constant 0 : i32
        %dma_wait3A_70 = tpu.memref_slice %arg9[%dma_wait3A_68, %dma_wait3A_69] : memref<10000x72xf32, #tpu.memory_space<vmem_shared>> -> memref<10000x72xf32, #tpu.memory_space<vmem_shared>>
        %dma_wait3A_71 = tpu.memref_slice %arg11[%and3A_61] : memref<4x!tpu.dma_semaphore, #tpu.memory_space<semaphore_mem>> -> memref<1x!tpu.dma_semaphore, #tpu.memory_space<semaphore_mem>>
        %dma_wait3A_72 = tpu.memref_squeeze %dma_wait3A_71 : memref<1x!tpu.dma_semaphore, #tpu.memory_space<semaphore_mem>> -> memref<!tpu.dma_semaphore, #tpu.memory_space<semaphore_mem>>
        tpu.wait_indirect_dma semaphore(%dma_wait3A_72 : memref<!tpu.dma_semaphore, #tpu.memory_space<semaphore_mem>>) src(%dma_wait3A_70 : memref<10000x72xf32, #tpu.memory_space<vmem_shared>>) dst(%dma_wait3A_64 : memref<80x72xf32, #tpu.memory_space<vmem>>)
        %dma_start3A = arith.constant 0 : i32
        %dma_start3A_73 = arith.constant 0 : i32
        %dma_start3A_74 = tpu.memref_slice %arg8[%and3A_61, %dma_start3A, %dma_start3A_73] : memref<4x80x72xf32, #tpu.memory_space<vmem>> -> memref<1x80x72xf32, #tpu.memory_space<vmem>>
        %dma_start3A_75 = tpu.memref_squeeze %dma_start3A_74 : memref<1x80x72xf32, #tpu.memory_space<vmem>> -> memref<80x72xf32, #tpu.memory_space<vmem>>
        %dma_start3A_76 = arith.constant 0 : i32
        %dma_start3A_77 = tpu.memref_slice %arg7[%and3A_61, %dma_start3A_76] : memref<4x80xi32, #tpu.memory_space<vmem>> -> memref<1x80xi32, #tpu.memory_space<vmem>>
        %dma_start3A_78 = tpu.memref_squeeze %dma_start3A_77 : memref<1x80xi32, #tpu.memory_space<vmem>> -> memref<80xi32, #tpu.memory_space<vmem>>
        %dma_start3A_79 = arith.constant 0 : i32
        %dma_start3A_80 = arith.constant 0 : i32
        %dma_start3A_81 = tpu.memref_slice %arg10[%dma_start3A_79, %dma_start3A_80] : memref<10000x72xf32, #tpu.memory_space<vmem_shared>> -> memref<10000x72xf32, #tpu.memory_space<vmem_shared>>
        %dma_start3A_82 = tpu.memref_slice %arg12[%and3A_61] : memref<4x!tpu.dma_semaphore, #tpu.memory_space<semaphore_mem>> -> memref<1x!tpu.dma_semaphore, #tpu.memory_space<semaphore_mem>>
        %dma_start3A_83 = tpu.memref_squeeze %dma_start3A_82 : memref<1x!tpu.dma_semaphore, #tpu.memory_space<semaphore_mem>> -> memref<!tpu.dma_semaphore, #tpu.memory_space<semaphore_mem>>
        tpu.enqueue_indirect_dma source(%dma_start3A_75 : memref<80x72xf32, #tpu.memory_space<vmem>>) target(%dma_start3A_81 : memref<10000x72xf32, #tpu.memory_space<vmem_shared>>) offsets(%dma_start3A_78 : memref<80xi32, #tpu.memory_space<vmem>>) semaphore(%dma_start3A_83 : memref<!tpu.dma_semaphore, #tpu.memory_space<semaphore_mem>>) {add = true}
      } else {
      }
    }
    %scan3A_27 = arith.constant 252 : i32
    %scan3A_28 = arith.constant 0 : i32
    %scan3A_29 = arith.constant 0 : i32
    %scan3A_30 = arith.constant 4 : i32
    %scan3A_31 = arith.addi %scan3A_29, %scan3A_30 : i32
    %scan3A_32 = arith.constant 1 : i32
    scf.for %scan3A_47 = %scan3A_29 to %scan3A_31 step %scan3A_32  : i32 {
      %add3A = arith.constant 246 : i32
      %add3A_48 = arith.addi %add3A, %scan3A_47 : i32
      %and3A = arith.constant 3 : i32
      %and3A_49 = arith.andi %add3A_48, %and3A : i32
      %dma_wait3A = arith.constant 0 : i32
      %dma_wait3A_50 = arith.constant 0 : i32
      %dma_wait3A_51 = tpu.memref_slice %arg8[%and3A_49, %dma_wait3A, %dma_wait3A_50] : memref<4x80x72xf32, #tpu.memory_space<vmem>> -> memref<1x80x72xf32, #tpu.memory_space<vmem>>
      %dma_wait3A_52 = tpu.memref_squeeze %dma_wait3A_51 : memref<1x80x72xf32, #tpu.memory_space<vmem>> -> memref<80x72xf32, #tpu.memory_space<vmem>>
      %dma_wait3A_53 = arith.constant 0 : i32
      %dma_wait3A_54 = tpu.memref_slice %arg7[%and3A_49, %dma_wait3A_53] : memref<4x80xi32, #tpu.memory_space<vmem>> -> memref<1x80xi32, #tpu.memory_space<vmem>>
      %dma_wait3A_55 = tpu.memref_squeeze %dma_wait3A_54 : memref<1x80xi32, #tpu.memory_space<vmem>> -> memref<80xi32, #tpu.memory_space<vmem>>
      %dma_wait3A_56 = arith.constant 0 : i32
      %dma_wait3A_57 = arith.constant 0 : i32
      %dma_wait3A_58 = tpu.memref_slice %arg10[%dma_wait3A_56, %dma_wait3A_57] : memref<10000x72xf32, #tpu.memory_space<vmem_shared>> -> memref<10000x72xf32, #tpu.memory_space<vmem_shared>>
      %dma_wait3A_59 = tpu.memref_slice %arg12[%and3A_49] : memref<4x!tpu.dma_semaphore, #tpu.memory_space<semaphore_mem>> -> memref<1x!tpu.dma_semaphore, #tpu.memory_space<semaphore_mem>>
      %dma_wait3A_60 = tpu.memref_squeeze %dma_wait3A_59 : memref<1x!tpu.dma_semaphore, #tpu.memory_space<semaphore_mem>> -> memref<!tpu.dma_semaphore, #tpu.memory_space<semaphore_mem>>
      tpu.wait_indirect_dma semaphore(%dma_wait3A_60 : memref<!tpu.dma_semaphore, #tpu.memory_space<semaphore_mem>>) src(%dma_wait3A_52 : memref<80x72xf32, #tpu.memory_space<vmem>>) dst(%dma_wait3A_58 : memref<10000x72xf32, #tpu.memory_space<vmem_shared>>)
    }
    %scan3A_33 = arith.constant 4 : i32
    %barrier3A_34 = arith.constant 0 : index
    tpu.barrier barrier_id(%barrier3A_34)
    %scan3A_35 = arith.constant 0 : i32
    %scan3A_36 = arith.constant 0 : i32
    %scan3A_37 = arith.constant 8 : i32
    %scan3A_38 = arith.addi %scan3A_36, %scan3A_37 : i32
    %scan3A_39 = arith.constant 1 : i32
    scf.for %scan3A_47 = %scan3A_36 to %scan3A_38 step %scan3A_39  : i32 {
      %mul3A = arith.constant 16 : i32
      %mul3A_48 = arith.muli %mul3A, %scan3A_47 : i32
      %add3A = arith.addi %arg1, %mul3A_48 : i32
      %lt3A = arith.constant 125 : i32
      %lt3A_49 = arith.cmpi slt, %add3A, %lt3A : i32
      %convert_element_type3A = arith.extui %lt3A_49 : i1 to i32
      %cond3A = arith.constant 0 : i32
      %cond3A_50 = arith.cmpi ne, %convert_element_type3A, %cond3A : i32
      scf.if %cond3A_50 {
        %mul3A_51 = arith.constant 80 : i32
        %mul3A_52 = arith.muli %add3A, %mul3A_51 : i32
        %mul3A_53 = arith.constant 80 : i32
        %mul3A_54 = arith.muli %add3A, %mul3A_53 : i32
        %dma_start3A = arith.constant 0 : i32
        %dma_start3A_55 = tpu.memref_slice %arg12[%dma_start3A] : memref<4x!tpu.dma_semaphore, #tpu.memory_space<semaphore_mem>> -> memref<1x!tpu.dma_semaphore, #tpu.memory_space<semaphore_mem>>
        %dma_start3A_56 = tpu.memref_squeeze %dma_start3A_55 : memref<1x!tpu.dma_semaphore, #tpu.memory_space<semaphore_mem>> -> memref<!tpu.dma_semaphore, #tpu.memory_space<semaphore_mem>>
        %dma_start3A_57 = arith.constant 0 : i32
        %dma_start3A_58 = tpu.memref_slice %arg4[%arg0, %mul3A_54, %dma_start3A_57] : memref<2x10000x72xf32, #tpu.memory_space<hbm>> -> memref<1x80x72xf32, #tpu.memory_space<hbm>>
        %dma_start3A_59 = tpu.memref_squeeze %dma_start3A_58 : memref<1x80x72xf32, #tpu.memory_space<hbm>> -> memref<80x72xf32, #tpu.memory_space<hbm>>
        %dma_start3A_60 = arith.constant 0 : i32
        %dma_start3A_61 = tpu.memref_slice %arg10[%mul3A_52, %dma_start3A_60] : memref<10000x72xf32, #tpu.memory_space<vmem_shared>> -> memref<80x72xf32, #tpu.memory_space<vmem_shared>>
        tpu.enqueue_dma source(%dma_start3A_61 : memref<80x72xf32, #tpu.memory_space<vmem_shared>>) target(%dma_start3A_59 : memref<80x72xf32, #tpu.memory_space<hbm>>) target_semaphore(%dma_start3A_56 : memref<!tpu.dma_semaphore, #tpu.memory_space<semaphore_mem>>)
      } else {
      }
    }
    %scan3A_40 = arith.constant 8 : i32
    %scan3A_41 = arith.constant 0 : i32
    %scan3A_42 = arith.constant 0 : i32
    %scan3A_43 = arith.constant 8 : i32
    %scan3A_44 = arith.addi %scan3A_42, %scan3A_43 : i32
    %scan3A_45 = arith.constant 1 : i32
    scf.for %scan3A_47 = %scan3A_42 to %scan3A_44 step %scan3A_45  : i32 {
      %mul3A = arith.constant 16 : i32
      %mul3A_48 = arith.muli %mul3A, %scan3A_47 : i32
      %add3A = arith.addi %arg1, %mul3A_48 : i32
      %lt3A = arith.constant 125 : i32
      %lt3A_49 = arith.cmpi slt, %add3A, %lt3A : i32
      %convert_element_type3A = arith.extui %lt3A_49 : i1 to i32
      %cond3A = arith.constant 0 : i32
      %cond3A_50 = arith.cmpi ne, %convert_element_type3A, %cond3A : i32
      scf.if %cond3A_50 {
        %mul3A_51 = arith.constant 80 : i32
        %mul3A_52 = arith.muli %add3A, %mul3A_51 : i32
        %mul3A_53 = arith.constant 80 : i32
        %mul3A_54 = arith.muli %add3A, %mul3A_53 : i32
        %dma_wait3A = arith.constant 0 : i32
        %dma_wait3A_55 = tpu.memref_slice %arg12[%dma_wait3A] : memref<4x!tpu.dma_semaphore, #tpu.memory_space<semaphore_mem>> -> memref<1x!tpu.dma_semaphore, #tpu.memory_space<semaphore_mem>>
        %dma_wait3A_56 = tpu.memref_squeeze %dma_wait3A_55 : memref<1x!tpu.dma_semaphore, #tpu.memory_space<semaphore_mem>> -> memref<!tpu.dma_semaphore, #tpu.memory_space<semaphore_mem>>
        %dma_wait3A_57 = arith.constant 0 : i32
        %dma_wait3A_58 = tpu.memref_slice %arg4[%arg0, %mul3A_54, %dma_wait3A_57] : memref<2x10000x72xf32, #tpu.memory_space<hbm>> -> memref<1x80x72xf32, #tpu.memory_space<hbm>>
        %dma_wait3A_59 = tpu.memref_squeeze %dma_wait3A_58 : memref<1x80x72xf32, #tpu.memory_space<hbm>> -> memref<80x72xf32, #tpu.memory_space<hbm>>
        %dma_wait3A_60 = arith.constant 0 : i32
        %dma_wait3A_61 = tpu.memref_slice %arg10[%mul3A_52, %dma_wait3A_60] : memref<10000x72xf32, #tpu.memory_space<vmem_shared>> -> memref<80x72xf32, #tpu.memory_space<vmem_shared>>
        tpu.wait_dma2 semaphore(%dma_wait3A_56 : memref<!tpu.dma_semaphore, #tpu.memory_space<semaphore_mem>>) src(%dma_wait3A_61 : memref<80x72xf32, #tpu.memory_space<vmem_shared>>) dst(%dma_wait3A_59 : memref<80x72xf32, #tpu.memory_space<hbm>>)
      } else {
      }
    }
    %scan3A_46 = arith.constant 8 : i32
    return
  }
}

module attributes {stable_mosaic.version = 14 : i64} {
  func.func @_tc_body(%arg0: memref<2x10000x72xf32, #tpu.memory_space<vmem>>, %arg1: memref<10000x128xf32, #tpu.memory_space<vmem>>, %arg2: memref<128x128xf32, #tpu.memory_space<vmem>>, %arg3: memref<1x128xf32, #tpu.memory_space<vmem>>, %arg4: memref<1x128xf32, #tpu.memory_space<vmem>>, %arg5: memref<1x128xf32, #tpu.memory_space<vmem>>, %arg6: memref<10000x128xf32, #tpu.memory_space<vmem>>) attributes {dimension_semantics = [], scalar_prefetch = 0 : i64, scratch_operands = 0 : i64, tpu.core_type = #tpu.core_type<tc>} {
    %get3A = arith.constant 0 : index
    %get3A_0 = arith.constant 0 : index
    %get3A_1 = arith.constant 0 : index
    %get3A_2 = vector.load %arg0[%get3A, %get3A_0, %get3A_1] : memref<2x10000x72xf32, #tpu.memory_space<vmem>>, vector<1x10000x72xf32>
    %get3A_3 = vector.shape_cast %get3A_2 : vector<1x10000x72xf32> to vector<10000x72xf32>
    %get3A_4 = arith.constant 1 : index
    %get3A_5 = arith.constant 0 : index
    %get3A_6 = arith.constant 0 : index
    %get3A_7 = vector.load %arg0[%get3A_4, %get3A_5, %get3A_6] : memref<2x10000x72xf32, #tpu.memory_space<vmem>>, vector<1x10000x72xf32>
    %get3A_8 = vector.shape_cast %get3A_7 : vector<1x10000x72xf32> to vector<10000x72xf32>
    %slice3A = vector.extract_strided_slice %get3A_3 {offsets = [0, 0], sizes = [10000, 64], strides = [1, 1]} : vector<10000x72xf32> to vector<10000x64xf32>
    %slice3A_9 = vector.extract_strided_slice %get3A_8 {offsets = [0, 0], sizes = [10000, 64], strides = [1, 1]} : vector<10000x72xf32> to vector<10000x64xf32>
    %concatenate3A = tpu.concatenate %slice3A, %slice3A_9 in 1 : vector<10000x64xf32>, vector<10000x64xf32> -> vector<10000x128xf32>
    %slice3A_10 = vector.extract_strided_slice %get3A_3 {offsets = [0, 64], sizes = [10000, 1], strides = [1, 1]} : vector<10000x72xf32> to vector<10000x1xf32>
    %max3A = arith.constant 1.000000e+00 : f32
    %max3A_11 = vector.broadcast %max3A : f32 to vector<10000x1xf32>
    %max3A_12 = arith.maximumf %slice3A_10, %max3A_11 : vector<10000x1xf32>
    %div3A = vector.broadcast %max3A_12 : vector<10000x1xf32> to vector<10000x128xf32>
    %div3A_13 = arith.divf %concatenate3A, %div3A : vector<10000x128xf32>
    %get3A_14 = arith.constant 0 : index
    %get3A_15 = arith.constant 0 : index
    %get3A_16 = vector.load %arg2[%get3A_14, %get3A_15] : memref<128x128xf32, #tpu.memory_space<vmem>>, vector<128x128xf32>
    %dot_general3A = arith.constant dense<0.000000e+00> : vector<10000x128xf32>
    %dot_general3A_17 = tpu.matmul %div3A_13, %get3A_16, %dot_general3A {dimension_numbers = #tpu.dot_dimension_numbers<[1], [1], [0], [0], [0, 0, 1, 0], [], []>, transpose_lhs_hint = false} : vector<10000x128xf32>, vector<128x128xf32>, vector<10000x128xf32> -> vector<10000x128xf32>
    %get3A_18 = arith.constant 0 : index
    %get3A_19 = arith.constant 0 : index
    %get3A_20 = vector.load %arg3[%get3A_18, %get3A_19] : memref<1x128xf32, #tpu.memory_space<vmem>>, vector<1x128xf32>
    %add3A = vector.broadcast %get3A_20 : vector<1x128xf32> to vector<10000x128xf32>
    %add3A_21 = arith.addf %dot_general3A_17, %add3A : vector<10000x128xf32>
    %reduce_sum3A = arith.constant dense<0.000000e+00> : vector<128xf32>
    %reduce_sum3A_22 = vector.multi_reduction <add>, %add3A_21, %reduce_sum3A [0] : vector<10000x128xf32> to vector<128xf32>
    %broadcast_in_dim3A = vector.shape_cast %reduce_sum3A_22 : vector<128xf32> to vector<1x128xf32>
    %div3A_23 = arith.constant 1.000000e+04 : f32
    %div3A_24 = vector.broadcast %div3A_23 : f32 to vector<1x128xf32>
    %div3A_25 = arith.divf %broadcast_in_dim3A, %div3A_24 : vector<1x128xf32>
    %sub3A = vector.broadcast %div3A_25 : vector<1x128xf32> to vector<10000x128xf32>
    %sub3A_26 = arith.subf %add3A_21, %sub3A : vector<10000x128xf32>
    %mul3A = arith.mulf %sub3A_26, %sub3A_26 : vector<10000x128xf32>
    %reduce_sum3A_27 = arith.constant dense<0.000000e+00> : vector<128xf32>
    %reduce_sum3A_28 = vector.multi_reduction <add>, %mul3A, %reduce_sum3A_27 [0] : vector<10000x128xf32> to vector<128xf32>
    %broadcast_in_dim3A_29 = vector.shape_cast %reduce_sum3A_28 : vector<128xf32> to vector<1x128xf32>
    %div3A_30 = arith.constant 1.000000e+04 : f32
    %div3A_31 = vector.broadcast %div3A_30 : f32 to vector<1x128xf32>
    %div3A_32 = arith.divf %broadcast_in_dim3A_29, %div3A_31 : vector<1x128xf32>
    %add3A_33 = arith.constant 9.99999974E-6 : f32
    %add3A_34 = vector.broadcast %add3A_33 : f32 to vector<1x128xf32>
    %add3A_35 = arith.addf %div3A_32, %add3A_34 : vector<1x128xf32>
    %sqrt3A = math.sqrt %add3A_35 : vector<1x128xf32>
    %div3A_36 = vector.broadcast %sqrt3A : vector<1x128xf32> to vector<10000x128xf32>
    %div3A_37 = arith.divf %sub3A_26, %div3A_36 : vector<10000x128xf32>
    %get3A_38 = arith.constant 0 : index
    %get3A_39 = arith.constant 0 : index
    %get3A_40 = vector.load %arg4[%get3A_38, %get3A_39] : memref<1x128xf32, #tpu.memory_space<vmem>>, vector<1x128xf32>
    %mul3A_41 = vector.broadcast %get3A_40 : vector<1x128xf32> to vector<10000x128xf32>
    %mul3A_42 = arith.mulf %div3A_37, %mul3A_41 : vector<10000x128xf32>
    %get3A_43 = arith.constant 0 : index
    %get3A_44 = arith.constant 0 : index
    %get3A_45 = vector.load %arg5[%get3A_43, %get3A_44] : memref<1x128xf32, #tpu.memory_space<vmem>>, vector<1x128xf32>
    %add3A_46 = vector.broadcast %get3A_45 : vector<1x128xf32> to vector<10000x128xf32>
    %add3A_47 = arith.addf %mul3A_42, %add3A_46 : vector<10000x128xf32>
    %get3A_48 = arith.constant 0 : index
    %get3A_49 = arith.constant 0 : index
    %get3A_50 = vector.load %arg1[%get3A_48, %get3A_49] : memref<10000x128xf32, #tpu.memory_space<vmem>>, vector<10000x128xf32>
    %max3A_51 = arith.constant 0.000000e+00 : f32
    %max3A_52 = vector.broadcast %max3A_51 : f32 to vector<10000x128xf32>
    %max3A_53 = arith.maximumf %add3A_47, %max3A_52 : vector<10000x128xf32>
    %add3A_54 = arith.addf %get3A_50, %max3A_53 : vector<10000x128xf32>
    %swap3A = arith.constant 0 : index
    %swap3A_55 = arith.constant 0 : index
    %swap3A_56 = vector.load %arg6[%swap3A, %swap3A_55] : memref<10000x128xf32, #tpu.memory_space<vmem>>, vector<10000x128xf32>
    tpu.vector_store %arg6[%swap3A, %swap3A_55], %add3A_54 {strides = array<i32>} : memref<10000x128xf32, #tpu.memory_space<vmem>>, vector<10000x128xf32>,
    return
  }
}

</mosaic_0001>

<sc_bundles>
// kernel: kernel.4.cloned.1.call-start
scs
__scs_entry_jumppad:
0x0: {  	(pc) =	sbr.rel $0x88, $3  }
0x1: {  	(tag) =	ssettag $0x0;
	lr =	simm.s32 $0x1  }
0x2: {  	[smem:$0x3F9B] =	sst lr;
	_ =	strace $0xD0000000  }
0x3: {  	_ = 	snop  }
0x4: {  	_ = 	snop  }
0x5: {  	_ = 	snop  }
0x6: {  	_ = 	snop  }
0x7: {  	_ = 	snop  }
__scs_overlays_trampoline_lowered:
0x8: {  	[smem:$0x3FAA] =	sst s0  }
0x9: {  	[smem:$0x3FAB] =	sst s1  }
0xa: {  	[smem:$0x3FAC] =	sst s2  }
0xb: {  	[smem:$0x3FAD] =	sst s3  }
0xc: {  	[smem:$0x3FAE] =	sst s4  }
0xd: {  	[smem:$0x3FAF] =	sst s5  }
0xe: {  	[smem:$0x3FB0] =	sst s6  }
0xf: {  	[smem:$0x3FB1] =	sst s7  }
0x10: {  	[smem:$0x3FB2] =	sst s8  }
0x11: {  	[smem:$0x3FB3] =	sst s9;
	s0 =	simm.s32 @!p0 $0x0  }
0x12: {  	s1 =	sld [smem:$0x3F99];
	s0 =	simm.s32 @p0 $0x1  }
0x13: {  	[smem:$0x3FB4] =	sst s0;
	s0 =	simm.s32 @!p1 $0x0  }
0x14: {  	s2 =	sld [smem:$0x3F98];
	s0 =	simm.s32 @p1 $0x1  }
0x15: {  	[smem:$0x3FB5] =	sst s0;
	s0 =	simm.s32 @!p2 $0x0  }
0x16: {  	s3 =	sld [smem:$0x3FDB];
	s0 =	simm.s32 @p2 $0x1  }
0x17: {  	s4 =	simm.s32 $0x1BF5;
	[smem:$0x3FB7] =	sst s0  }
0x18: {  	s0 =	sld [smem:$0x3F9A];
	_ =	swait.ge [sflag:s4], $0x0  }
0x19: {  	s7 =	sld [smem:$0x3F9B]  }
0x1a: {  	s8 =	sadd.s32 $0xFFFFE003, lr  }
0x1b: {  	s9 =	sadd.s32 $0xFFFFFEF7, lr;
	s5 =	simm.s32 $0xFFFFFFFF;
	p2 =	slt.u32 s8, $0xFFFFF086  }
0x1c: {  	p1 =	slt.u32 s9, $0xF7A;
	s5 =	simm.s32 @!p2 $0x0  }
0x1d: {  	s5 =	simm.s32 @p1 $0x1;
	p0 =	seq.s32 s7, s2  }
0x1e: {  	s7 =	smul.u32 @!p0 $0xF7A, s2;
	p2 =	seq.s32 @!p0 s5, $0x0  }
0x1f: {  	s9 =	smul.u32 $0xF7A, s1;
	s8 =	simm.s32 @!p0 $0x1BF5;
	p2 =	por !p2, p0  }
0x20: {  	[sflag:s8] =	ssyncset.s32 @!p0 $0xFFFFF086;
	s6 =	sadd.s32 @!p0 s3, s7;
	s7 =	simm.s32 @!p0 $0x108  }
0x21: {  	s3 =	sadd.s32 s3, s9;
	s6 =	sadd.s32 @!p0 $0x88, s6;
	s7 =	simm.s32 @p2 $0x1082  }
0x22: {  	[simem:s7], [sflag:s8] =	dma.local @!p0 [hbm:s6], $0xF7A  }
0x23: {  	s9 =	sor.u32 $0xD0000000, s2;
	s6 =	simm.s32 $0x108;
	_ =	swait.ge @!p0 [sflag:s8], $0x0  }
0x24: {  	s3 =	sadd.s32 $0x88, s3;
	s6 =	simm.s32 @!p1 $0x1082;
	[sflag:s4] =	ssyncset.s32 $0xFFFFF086  }
0x25: {  	[simem:s6], [sflag:s4] =	dma.local [hbm:s3], $0xF7A  }
0x26: {  	[smem:$0x3F9B] =	sst s1;
	(tag) =	ssettag s2;
	_ =	strace s9  }
0x27: {  	s1 =	sld [smem:$0x3FAB]  }
0x28: {  	s2 =	sld [smem:$0x3FAC]  }
0x29: {  	s4 =	sld [smem:$0x3FAE]  }
0x2a: {  	p0 =	seq.s32 s5, $0x0;
	s5 =	sld [smem:$0x3FAF]  }
0x2b: {  	s6 =	sld [smem:$0x3FB0]  }
0x2c: {  	s7 =	sld [smem:$0x3FB1]  }
0x2d: {  	s3 =	simm.s32 $0x108;
	s8 =	sld [smem:$0x3FB2]  }
0x2e: {  	s3 =	simm.s32 @!p0 $0x1082;
	s9 =	sld [smem:$0x3FB3]  }
0x2f: {  	lr =	sadd.s32 s0, s3;
	s0 =	sld [smem:$0x3FAA]  }
0x30: {  	s3 =	sld [smem:$0x3FAD]  }
0x31: {  	[smem:$0x3FB6] =	sst s10  }
0x32: {  	s10 =	sld [smem:$0x3FB4];
	_ =	sdelay $0x3  }
0x33: {  	p0 =	seq.s32 s10, $0x1;
	s10 =	sld [smem:$0x3FB6];
	_ =	sdelay $0x3  }
0x34: {  	[smem:$0x3FB6] =	sst s10  }
0x35: {  	s10 =	sld [smem:$0x3FB5];
	_ =	sdelay $0x3  }
0x36: {  	p1 =	seq.s32 s10, $0x1;
	s10 =	sld [smem:$0x3FB6];
	_ =	sdelay $0x3  }
0x37: {  	[smem:$0x3FB6] =	sst s10  }
0x38: {  	s10 =	sld [smem:$0x3FB7]  }
0x39: {  	_ = 	snop;
	(pc) =	sbr.ind lr, $3  }
0x3a: {  	_ = 	snop  }
0x3b: {  	_ = 	snop  }
0x3c: {  	p2 =	seq.s32 s10, $0x1;
	s10 =	sld [smem:$0x3FB6]  }
0x3d: {  	_ =	shalt  }
0x3e: {  	_ =	shalt  }
0x3f: {  	_ =	shalt  }
0x40: {  	_ =	shalt  }
0x41: {  	_ =	shalt  }
0x42: {  	_ =	shalt  }
0x43: {  	_ =	shalt  }
0x44: {  	_ =	shalt  }
0x45: {  	_ =	shalt  }
0x46: {  	_ =	shalt  }
0x47: {  	_ =	shalt  }
0x48: {  	_ =	shalt  }
0x49: {  	_ =	shalt  }
0x4a: {  	_ =	shalt  }
0x4b: {  	_ =	shalt  }
0x4c: {  	_ =	shalt  }
0x4d: {  	_ =	shalt  }
0x4e: {  	_ =	shalt  }
0x4f: {  	_ =	shalt  }
0x50: {  	_ =	shalt  }
0x51: {  	_ =	shalt  }
0x52: {  	_ =	shalt  }
0x53: {  	_ =	shalt  }
0x54: {  	_ =	shalt  }
0x55: {  	_ =	shalt  }
0x56: {  	_ =	shalt  }
0x57: {  	_ =	shalt  }
0x58: {  	_ =	shalt  }
0x59: {  	_ =	shalt  }
0x5a: {  	_ =	shalt  }
0x5b: {  	_ =	shalt  }
0x5c: {  	_ =	shalt  }
0x5d: {  	_ =	shalt  }
0x5e: {  	_ =	shalt  }
0x5f: {  	_ =	shalt  }
0x60: {  	_ =	shalt  }
0x61: {  	_ =	shalt  }
0x62: {  	_ =	shalt  }
0x63: {  	_ =	shalt  }
0x64: {  	_ =	shalt  }
0x65: {  	_ =	shalt  }
0x66: {  	_ =	shalt  }
0x67: {  	_ =	shalt  }
0x68: {  	_ =	shalt  }
0x69: {  	_ =	shalt  }
0x6a: {  	_ =	shalt  }
0x6b: {  	_ =	shalt  }
0x6c: {  	_ =	shalt  }
0x6d: {  	_ =	shalt  }
0x6e: {  	_ =	shalt  }
0x6f: {  	_ =	shalt  }
0x70: {  	_ =	shalt  }
0x71: {  	_ =	shalt  }
0x72: {  	_ =	shalt  }
0x73: {  	_ =	shalt  }
0x74: {  	_ =	shalt  }
0x75: {  	_ =	shalt  }
0x76: {  	_ =	shalt  }
0x77: {  	_ =	shalt  }
0x78: {  	_ =	shalt  }
0x79: {  	_ =	shalt  }
0x7a: {  	_ =	shalt  }
0x7b: {  	_ =	shalt  }
0x7c: {  	_ =	shalt  }
0x7d: {  	_ =	shalt  }
0x7e: {  	_ =	shalt  }
0x7f: {  	_ =	shalt  }
0x80: {  	_ =	shalt  }
0x81: {  	_ =	shalt  }
0x82: {  	_ =	shalt  }
0x83: {  	_ =	shalt  }
0x84: {  	_ =	shalt  }
0x85: {  	_ =	shalt  }
0x86: {  	_ =	shalt  }
0x87: {  	_ =	shalt  }
.Lfunc_end0:
.L_simem_size_0:
called_computation_lowered:
.L_overlay_start_0:
0x88: {  	s2 =	sld [smem:$0x3FD9]  }
0x89: {  	s3 =	sld [smem:$0x3FFE];
	_ =	sdelay $0x1  }
0x8a: {  	s1 =	srdreg.scid  }
0x8b: {  	s0 =	sand.u32 $0x1, s1  }
0x8c: {  	s17 =	sshll.u32 s0, $0xA;
	s2 =	sadd.s32 s3, s2  }
0x8d: {  	s2 =	sadd.s32 s2, s17  }
0x8e: {  	[smem:$0x3FC2] =	sst s2  }
0x8f: {  	_ = 	snop  }
0x90: {  	s2 =	sld [smem:$0x3FC9]  }
0x91: {  	s18 =	sld [smem:$0x3FD0];
	(tm) =	ssettm $0x1  }
0x92: {  	s4 =	sld [smem:$0x3FFB];
	_ =	sdelay $0x3  }
0x93: {  	_ =	strace s4  }
0x94: {  	s4 =	sld [smem:$0x3FFC];
	_ =	sdelay $0x3  }
0x95: {  	_ =	strace s4  }
0x96: {  	s4 =	sld [smem:$0x3FFD];
	_ =	sdelay $0x3  }
0x97: {  	_ =	strace s4  }
0x98: {  	_ =	strace $0x8FFFFFFF  }
0x99: {  	s19 =	sld [smem:$0x3FDB];
	_ =	sdelay $0x1  }
0x9a: {  	s5 =	simm.s32 $_scs_section_size  }
0x9b: {  	s6 =	simm.s32 $_size__tile_overlayer_lowered;
	s7 =	simm.s32 $_tile_overlayer_lowered  }
0x9c: {  	s22 =	simm.s32 $0x1BFF;
	s21 =	sshll.u32 s7, $0x1;
	s4 =	sadd.s32 s5, s19  }
0x9d: {  	s8 =	simm.s32 $0x0;
	s20 =	sshll.u32 s6, $0x1;
	s6 =	sadd.s32 s21, s4  }
0x9e: {  	[timem:s8], [sflag:s22] =	dma.local [hbm:s6], s20  }
0x9f: {  	_ =	swait.ge [sflag:s22], s20  }
0xa0: {  	s5 =	ssub.s32 $0x0, s20;
	[sflag:s22] =	ssyncset.done $0x0  }
0xa1: {  	[sflag:s22] =	ssyncadd.s32 s5;
	_ =	sdelay $0x1  }
0xa2: {  	s23 =	simm.s32 $0x1B8B  }
0xa3: {  	_ =	swait.ge [sflag:s23], $0x1  }
0xa4: {  	[sflag:s23] =	ssyncset.done $0x0  }
0xa5: {  	s25 =	simm.s32 $0x1B8E;
	s24 =	sld [smem:$0x3FFE];
	[sflag:s23] =	ssyncadd.s32 $0xFFFFFFFF  }
0xa6: {  	s26 =	simm.s32 $execute0_lowered;
	[smem:$0x3FD2] =	sst s25  }
0xa7: {  	s6 =	sshll.u32 s26, $0x1;
	_ =	strace $0x80000046;
	[dreg:$0x1] =	wrdreg $0xFFFFFFFF  }
0xa8: {  	s28 =	simm.s32 $_size_execute0_lowered;
	s4 =	sadd.s32 s4, s6;
	[dreg:$0x0] =	wrdreg $0x0  }
0xa9: {  	s6 =	sshll.u32 s28, $0x1;
	[dreg:$0x2] =	wrdreg s4  }
0xaa: {  	[dreg:$0x3] =	wrdreg s6  }
0xab: {  	[dreg:$0x4] =	wrdreg $0xC0  }
0xac: {  	_ =	task [dreg:s8], $0x5FFFF  }
0xad: {  	[dreg:$0x1] =	wrdreg $0xFFFFFFFF  }
0xae: {  	[dreg:$0x0] =	wrdreg $0x60  }
0xaf: {  	[dreg:$0x2] =	wrdreg s2  }
0xb0: {  	[dreg:$0x3] =	wrdreg s18  }
0xb1: {  	[dreg:$0x4] =	wrdreg s24  }
0xb2: {  	[dreg:$0x5] =	wrdreg $0x133580  }
0xb3: {  	[dreg:$0x6] =	wrdreg $0x83900  }
0xb4: {  	[dreg:$0x7] =	wrdreg $0x9  }
0xb5: {  	_ =	task.clear_ibuf [dreg:s8], $0x8FFFF;
	_ =	strace $0x90000046  }
0xb6: {  	s29 =	simm.s32 $0x9;
	_ =	strace $0x80000048  }
0xb7: {  	_ =	swait.ge [sflag:s29], $0x1  }
0xb8: {  	[sflag:s29] =	ssyncadd.s32 $0xFFFFFFFF  }
0xb9: {  	_ =	strace $0x90000048  }
0xba: {  	_ =	sfence  }
0xbb: {  	s30 =	sld [smem:$0x0];
	_ =	sdelay $0x2  }
0xbc: {  	s31 =	sshll.u32 s1, $0xD;
	s1 =	sshrl.u32 s1, $0x2  }
0xbd: {  	s3 =	sand.u32 $0x4000, s31;
	s1 =	sadd.s32 s1, s30  }
0xbe: {  	s0 =	sor.u32 s3, s0;
	s1 =	sshll.u32 s1, $0x11  }
0xbf: {  	s0 =	sor.u32 s1, s0  }
0xc0: {  	s0 =	sadd.s32 $0x8F2B, s0  }
0xc1: {  	[sflag:s0] =	ssyncadd.remote.s32 $0x1  }
0xc2: {  	_ =	sfence.sel $0xFFFF  }
0xc3: {  	[dreg:$0x0] =	wrdreg $0xFFFFFFFF;
	(pc) =	sbr.abs _section_cstart, $3  }
0xc4: {  	[dreg:$0x1] =	wrdreg $0xFFFFFFFF  }
0xc5: {  	_ =	task.clear_ibuf [dreg:s8], $0x2FFFF;
	_ =	strace $0x9FFFFFFF  }
0xc6: {  	(tm) =	ssettm $0x7FFFFFFF  }
0xc7: {  	_ =	shalt  }
tec
execute0_lowered:
.L_overlay_start_1:
0x0: {  	(tag) =	ssettag $0x1  }
0x1: {  	s0 =	rddreg [dreg:$0x0]  }
0x2: {  	s2 =	rddreg [dreg:$0x1]  }
0x3: {  	s5 =	rddreg [dreg:$0x2]  }
0x4: {  	s3 =	rddreg [dreg:$0x3]  }
0x5: {  	s1 =	srdreg.scid;
	s4 =	rddreg [dreg:$0x4]  }
0x6: {  	s28 =	simm.s32 $0x9;
	s29 =	simm.s32 $0x2990;
	s6 =	sand.u32 $0x1, s1  }
0x7: {  	s30 =	simm.s32 $0x1;
	s1 =	stileid.u32;
	s7 =	smul.u32 $0xAFC80, s6  }
0x8: {  	s31 =	simm.s32 $0x10;
	s8 =	smul.u32 $0x1680, s1;
	s9 =	ssub.s32 $0x2, s6  }
0x9: {  	s5 =	sadd.s32 $0x1000, s5;
	s10 =	smul.u32 $0x4E20, s1;
	s11 =	sshrl.u32 s9, $0x1  }
0xa: {  	p1 =	sgt.u32 s1, $0xC;
	s12 =	sadd.s32 s7, s8;
	s9 =	ssub.s32 s9, s11  }
0xb: {  	s10 =	sshrl.u32 s10, $0x3;
	s11 =	sadd.s32 $0x2D000, s8;
	s13 =	sadd.s32 $0x43800, s8  }
0xc: {  	s15 =	sshrl.u32 s12, $0x3;
	s26 =	sadd.s32 s2, s10;
	s2 =	sadd.s32 $0x16800, s8  }
0xd: {  	s18 =	sadd.s32 s7, s11;
	s14 =	sadd.s32 s7, s13;
	s9 =	smax.u32 s9, $0x1  }
0xe: {  	s16 =	sadd.s32 s5, s15;
	s17 =	sadd.s32 s7, s2;
	s19 =	sshrl.u32 s18, $0x3  }
0xf: {  	s20 =	sshrl.u32 s14, $0x3;
	s14 =	sadd.s32 $0x70800, s8;
	s18 =	sadd.s32 $0x87000, s8  }
0x10: {  	s2 =	sadd.s32 s2, s3;
	[dreg:$0x6] =	wrdreg s16;
	s10 =	sshrl.u32 s17, $0x3  }
0x11: {  	s21 =	sadd.s32 s5, s20;
	s16 =	sor.u32 $0x70, s1;
	s15 =	sadd.s32 s7, s14  }
0x12: {  	s24 =	sadd.s32 s7, s18;
	s20 =	smul.u32 $0x5A00, s1;
	s10 =	sadd.s32 s5, s10  }
0x13: {  	[dreg:$0x9] =	wrdreg s21;
	s17 =	smul.u32 $0x1680, s16;
	s23 =	sshrl.u32 s15, $0x3  }
0x14: {  	s25 =	sshrl.u32 s24, $0x3;
	p0 =	sgt.u32 s16, $0x7C;
	s21 =	sadd.s32 s11, s3  }
0x15: {  	s24 =	sadd.s32 s14, s3;
	[dreg:$0x7] =	wrdreg s10;
	s10 =	sadd.s32 s5, s19  }
0x16: {  	s15 =	sadd.s32 s5, s25;
	s19 =	sadd.s32 s8, s3;
	s25 =	sadd.s32 s18, s3  }
0x17: {  	s18 =	smov.u32 s26;
	s26 =	sadd.s32 $0x4E2, s26;
	[dreg:$0x8] =	wrdreg s10  }
0x18: {  	s10 =	sadd.s32 $0x5A000, s8;
	[dreg:$0xc] =	wrdreg s15;
	s15 =	sshll.u32 s6, $0x6  }
0x19: {  	s6 =	sshrl.u32 s20, $0x2;
	s20 =	sshrl.u32 s21, $0x3;
	s8 =	simm.s32 $0x8  }
0x1a: {  	s22 =	sadd.s32 s7, s10;
	s7 =	sadd.s32 s7, s17;
	s6 =	sadd.s32 s6, s4  }
0x1b: {  	s12 =	sshrl.u32 s22, $0x3;
	s7 =	sshrl.u32 s7, $0x3;
	s22 =	sadd.s32 s13, s3  }
0x1c: {  	s13 =	sadd.s32 s17, s3;
	s17 =	sadd.s32 $0x40, s6;
	s12 =	sadd.s32 s5, s12  }
0x1d: {  	s6 =	simm.s32 $0x6;
	s21 =	sshrl.u32 s22, $0x3;
	[dreg:$0xa] =	wrdreg s12  }
0x1e: {  	s12 =	sadd.s32 s5, s23;
	s5 =	sadd.s32 s5, s7;
	s23 =	sadd.s32 s10, s3  }
0x1f: {  	s7 =	simm.s32 $0x7;
	[dreg:$0xb] =	wrdreg s12;
	s12 =	simm.s32 $0x0  }
.Ltmp0:
0x20: {  	[dreg:$0xd] =	wrdreg s5;
	s5 =	sshrl.u32 s19, $0x3;
	(pc) =	sbr.rel .LBB2_1-.Ltmp0, $4  }
0x21: {  	s19 =	sshrl.u32 s2, $0x3;
	s22 =	sshrl.u32 s23, $0x3;
	s23 =	sshrl.u32 s24, $0x3  }
0x22: {  	s24 =	sshrl.u32 s25, $0x3;
	s25 =	sshrl.u32 @!p0 s13, $0x3;
	[smem:$0x7FF] =	sst s12  }
0x23: {  	s2 =	simm.s32 $0x5;
	_ =	strace $0x80000047;
	[dreg:$0xe] =	wrdreg s9  }
0x24: {  	v0 =	vimm.f32 $0.0e+00;
	v1 =	vimm.f32 $1.000000000e+00;
	[dreg:$0xf] =	wrdreg s5;
	s5 =	simm.s32 $0x50;
	s9 =	simm.s32 $0x0  }
.LBB2_18:
0x25: {  	_ =	swait.ge [sflag:s7], $0x1680  }
0x26: {  	[sflag:s7] =	ssyncset.done $0x0  }
0x27: {  	[sflag:s7] =	ssyncadd.s32 $0xFFFFE980  }
0x28: {  	_ =	swait.ge [sflag:s8], $0x1680  }
0x29: {  	[sflag:s8] =	ssyncset.done $0x0  }
0x2a: {  	[sflag:s8] =	ssyncadd.s32 $0xFFFFE980  }
0x2b: {  	_ =	swait.ge [sflag:s2], $0x1680  }
0x2c: {  	[sflag:s2] =	ssyncset.done $0x0  }
0x2d: {  	[sflag:s2] =	ssyncadd.s32 $0xFFFFE980  }
0x2e: {  	_ =	swait.ge [sflag:s6], $0x1680  }
0x2f: {  	[sflag:s6] =	ssyncset.done $0x0  }
0x30: {  	[sflag:s6] =	ssyncadd.s32 $0xFFFFE980  }
0x31: {  	[bflag:$0x0] =	sbarrier.arrive $0xFFFF  }
0x32: {  	s10 =	sshll.u32 s1, $0x6;
	s11 =	rddreg [dreg:$0x6]  }
0x33: {  	s10 =	sor.u32 $0x1C05, s10;
	s13 =	rddreg [dreg:$0xf]  }
0x34: {  	[hbm:s11], [sflag:s10] =	dma.local [spmem:s13], $0x2D0  }
0x35: {  	s11 =	rddreg [dreg:$0x7]  }
0x36: {  	[hbm:s11], [sflag:s10] =	dma.local [spmem:s19], $0x2D0  }
0x37: {  	s11 =	rddreg [dreg:$0x8]  }
0x38: {  	[hbm:s11], [sflag:s10] =	dma.local [spmem:s20], $0x2D0  }
0x39: {  	s11 =	rddreg [dreg:$0x9]  }
0x3a: {  	[hbm:s11], [sflag:s10] =	dma.local [spmem:s21], $0x2D0  }
0x3b: {  	s11 =	rddreg [dreg:$0xa]  }
0x3c: {  	[hbm:s11], [sflag:s10] =	dma.local [spmem:s22], $0x2D0  }
0x3d: {  	s11 =	rddreg [dreg:$0xb]  }
0x3e: {  	[hbm:s11], [sflag:s10] =	dma.local [spmem:s23], $0x2D0  }
0x3f: {  	s11 =	rddreg [dreg:$0xc]  }
0x40: {  	[hbm:s11], [sflag:s10] =	dma.local [spmem:s24], $0x2D0  }
0x41: {  	s11 =	rddreg [dreg:$0xd]  }
0x42: {  	[hbm:s11], [sflag:s10] =	dma.local @!p0 [spmem:s25], $0x2D0  }
0x43: {  	_ =	swait.ge [sflag:s2], $0x2D0  }
0x44: {  	[sflag:s2] =	ssyncset.done $0x0  }
0x45: {  	[sflag:s2] =	ssyncadd.s32 $0xFFFFFD30  }
0x46: {  	_ =	swait.ge [sflag:s2], $0x2D0  }
0x47: {  	[sflag:s2] =	ssyncset.done $0x0  }
0x48: {  	[sflag:s2] =	ssyncadd.s32 $0xFFFFFD30  }
0x49: {  	_ =	swait.ge [sflag:s2], $0x2D0  }
0x4a: {  	[sflag:s2] =	ssyncset.done $0x0  }
0x4b: {  	[sflag:s2] =	ssyncadd.s32 $0xFFFFFD30  }
0x4c: {  	_ =	swait.ge [sflag:s2], $0x2D0  }
0x4d: {  	[sflag:s2] =	ssyncset.done $0x0  }
0x4e: {  	[sflag:s2] =	ssyncadd.s32 $0xFFFFFD30  }
0x4f: {  	_ =	swait.ge [sflag:s2], $0x2D0  }
0x50: {  	[sflag:s2] =	ssyncset.done $0x0  }
0x51: {  	[sflag:s2] =	ssyncadd.s32 $0xFFFFFD30  }
0x52: {  	_ =	swait.ge [sflag:s2], $0x2D0  }
0x53: {  	[sflag:s2] =	ssyncset.done $0x0  }
0x54: {  	[sflag:s2] =	ssyncadd.s32 $0xFFFFFD30  }
0x55: {  	_ =	swait.ge [sflag:s2], $0x2D0  }
0x56: {  	[sflag:s2] =	ssyncset.done $0x0  }
0x57: {  	s10 =	simm.s32 @!p1 $0x5;
	[sflag:s2] =	ssyncadd.s32 $0xFFFFFD30  }
0x58: {  	_ =	swait.ge @!p1 [sflag:s10], $0x2D0  }
0x59: {  	s9 =	sadd.s32 $0x1, s9;
	s16 =	rddreg [dreg:$0xe]  }
0x5a: {  	p2 =	sne.s32 s9, s16  }
.Ltmp1:
0x5b: {  	_ = 	snop;
	(pc) =	sbr.rel @!p2 .LBB2_19-.Ltmp1, $3  }
0x5c: {  	_ =	sdelay $0x1  }
0x5d: {  	[sflag:s10] =	ssyncset.done @!p1 $0x0  }
0x5e: {  	[sflag:s10] =	ssyncadd.s32 @!p1 $0xFFFFFD30  }
.LBB2_1:
0x5f: {  	[tilespmem:s12], [sflag:$0x9] =	stream.linear.gather [hbm4b:s18+s12], $0x2710, $0x38;
	[tilespmem:$0x1E320] =	vst v63  }
0x60: {  	_ =	swait.ge [sflag:s28], $0x2710  }
0x61: {  	[sflag:s28] =	ssyncset.done $0x0  }
0x62: {  	s10 =	simm.s32 $0x0;
	[sflag:s28] =	ssyncadd.s32 $0xFFFFD8F0  }
0x63: {  	[tilespmem:s10+$0x29C0] =	vst v0  }
0x64: {  	[tilespmem:s10+$0x2990] =	vst v0  }
0x65: {  	[tilespmem:s10+$0x29A0] =	vst v0  }
0x66: {  	[tilespmem:s10+$0x29B0] =	vst v0  }
0x67: {  	s11 =	simm.s32 $0x120;
	[tilespmem:s10+$0x29C8] =	vst v0  }
.LBB2_2:
0x68: {  	[tilespmem:s10+$0x4010] =	vst v1;
	s10 =	sshra.s32 s11, $0x2;
	p2 =	sne.s32 s11, $0x58E0  }
.Ltmp2:
0x69: {  	s11 =	sadd.s32 $0x120, s11;
	[tilespmem:s10+$0x29C0] =	vst v0;
	(pc) =	sbr.rel @p2 .LBB2_2-.Ltmp2, $4  }
0x6a: {  	[tilespmem:s10+$0x29C8] =	vst v0  }
0x6b: {  	[tilespmem:s10+$0x2990] =	vst v0  }
0x6c: {  	[tilespmem:s10+$0x29A0] =	vst v0  }
0x6d: {  	[tilespmem:s10+$0x29B0] =	vst v0  }
.Ltmp3:
0x6e: {  	(pc) =	sbr.rel .LBB2_4-.Ltmp3, $2  }
0x6f: {  	_ =	sdelay $0x2  }
0x70: {  	[tilespmem:s10+$0x4010] =	vst v1;
	s10 =	simm.s32 $0x0;
	s11 =	smov.u32 s17  }
.LBB2_8:
0x71: {  	s10 =	sadd.s32 $0x1, s10  }
0x72: {  	p2 =	sne.s32 s10, $0x8  }
.Ltmp4:
0x73: {  	_ = 	snop;
	(pc) =	sbr.rel @!p2 .LBB2_9-.Ltmp4, $2  }
0x74: {  	_ =	sdelay $0x2  }
0x75: {  	s11 =	sadd.s32 $0x16800, s11  }
.LBB2_4:
0x76: {  	s13 =	sshll.u32 s10, $0x4  }
0x77: {  	s13 =	sor.u32 s1, s13  }
0x78: {  	p2 =	sgt.u32 s13, $0x7C  }
.Ltmp5:
0x79: {  	_ = 	snop;
	(pc) =	sbr.rel @p2 .LBB2_8-.Ltmp5, $1  }
0x7a: {  	_ =	sdelay $0x3  }
0x7b: {  	s14 =	smul.u32 $0x1680, s13  }
0x7c: {  	s13 =	smul.u32 $0x2800, s13;
	_ =	sdelay $0x1  }
0x7d: {  	s16 =	sadd.s32 s14, s3;
	s13 =	sor.u32 s15, s13  }
0x7e: {  	[spmem:s16] =	stream.linear.scatter [tilespmem:s29], [sflag:$0x5], $0x1680, $0x38;
	[tilespmem:$0x1E320] =	vst v63  }
0x7f: {  	s14 =	sadd.s32 s14, s4;
	s13 =	sshrl.u32 s13, $0x3;
	s16 =	sshll.u32 s1, $0x6  }
0x80: {  	s14 =	sshrl.u32 s14, $0x3;
	s13 =	sadd.s32 s0, s13;
	s16 =	sor.u32 $0x1C06, s16  }
0x81: {  	[spmem:s14@s28], [sflag:s16] =	dma.strided [hbm:s13@s31], $0x280, s30, $0x8   }
0x82: {  	s13 =	simm.s32 $0x120;
	s14 =	simm.s32 $0x4010;
	s16 =	sadd.s32 $0x0, s11  }
.LBB2_6:
0x83: {  	[spmem:s16] =	stream.linear.scatter [tilespmem:s14], [sflag:$0x7], $0x8, $0x38;
	[tilespmem:$0x1E320] =	vst v63  }
0x84: {  	s14 =	smov.u32 s13;
	p2 =	sne.s32 s13, $0x58E0  }
.Ltmp6:
0x85: {  	s13 =	sadd.s32 $0x120, s13;
	(pc) =	sbr.rel @p2 .LBB2_6-.Ltmp6, $3  }
0x86: {  	_ =	sdelay $0x1  }
0x87: {  	s16 =	sshra.s32 s14, $0x2  }
0x88: {  	s14 =	sadd.s32 $0x4010, s16;
	s16 =	sadd.s32 s16, s11  }
.Ltmp7:
0x89: {  	(pc) =	sbr.rel .LBB2_8-.Ltmp7, $2  }
0x8a: {  	_ =	sdelay $0x2  }
0x8b: {  	[spmem:s16] =	stream.linear.scatter [tilespmem:s14], [sflag:$0x7], $0x8, $0x38;
	[tilespmem:$0x1E320] =	vst v63  }
.LBB2_9:
0x8c: {  	_ =	swait.ge [sflag:s2], $0x1680  }
0x8d: {  	[sflag:s2] =	ssyncset.done $0x0  }
0x8e: {  	[sflag:s2] =	ssyncadd.s32 $0xFFFFE980  }
0x8f: {  	_ =	swait.ge [sflag:s6], $0x280  }
0x90: {  	[sflag:s6] =	ssyncset.done $0x0  }
0x91: {  	[sflag:s6] =	ssyncadd.s32 $0xFFFFFD80  }
0x92: {  	_ =	swait.ge [sflag:s7], $0x280  }
0x93: {  	[sflag:s7] =	ssyncset.done $0x0  }
0x94: {  	[sflag:s7] =	ssyncadd.s32 $0xFFFFFD80  }
0x95: {  	_ =	swait.ge [sflag:s2], $0x1680  }
0x96: {  	[sflag:s2] =	ssyncset.done $0x0  }
0x97: {  	[sflag:s2] =	ssyncadd.s32 $0xFFFFE980  }
0x98: {  	_ =	swait.ge [sflag:s6], $0x280  }
0x99: {  	[sflag:s6] =	ssyncset.done $0x0  }
0x9a: {  	[sflag:s6] =	ssyncadd.s32 $0xFFFFFD80  }
0x9b: {  	_ =	swait.ge [sflag:s7], $0x280  }
0x9c: {  	[sflag:s7] =	ssyncset.done $0x0  }
0x9d: {  	[sflag:s7] =	ssyncadd.s32 $0xFFFFFD80  }
0x9e: {  	_ =	swait.ge [sflag:s2], $0x1680  }
0x9f: {  	[sflag:s2] =	ssyncset.done $0x0  }
0xa0: {  	[sflag:s2] =	ssyncadd.s32 $0xFFFFE980  }
0xa1: {  	_ =	swait.ge [sflag:s6], $0x280  }
0xa2: {  	[sflag:s6] =	ssyncset.done $0x0  }
0xa3: {  	[sflag:s6] =	ssyncadd.s32 $0xFFFFFD80  }
0xa4: {  	_ =	swait.ge [sflag:s7], $0x280  }
0xa5: {  	[sflag:s7] =	ssyncset.done $0x0  }
0xa6: {  	[sflag:s7] =	ssyncadd.s32 $0xFFFFFD80  }
0xa7: {  	_ =	swait.ge [sflag:s2], $0x1680  }
0xa8: {  	[sflag:s2] =	ssyncset.done $0x0  }
0xa9: {  	[sflag:s2] =	ssyncadd.s32 $0xFFFFE980  }
0xaa: {  	_ =	swait.ge [sflag:s6], $0x280  }
0xab: {  	[sflag:s6] =	ssyncset.done $0x0  }
0xac: {  	[sflag:s6] =	ssyncadd.s32 $0xFFFFFD80  }
0xad: {  	_ =	swait.ge [sflag:s7], $0x280  }
0xae: {  	[sflag:s7] =	ssyncset.done $0x0  }
0xaf: {  	[sflag:s7] =	ssyncadd.s32 $0xFFFFFD80  }
0xb0: {  	_ =	swait.ge [sflag:s2], $0x1680  }
0xb1: {  	[sflag:s2] =	ssyncset.done $0x0  }
0xb2: {  	[sflag:s2] =	ssyncadd.s32 $0xFFFFE980  }
0xb3: {  	_ =	swait.ge [sflag:s6], $0x280  }
0xb4: {  	[sflag:s6] =	ssyncset.done $0x0  }
0xb5: {  	[sflag:s6] =	ssyncadd.s32 $0xFFFFFD80  }
0xb6: {  	_ =	swait.ge [sflag:s7], $0x280  }
0xb7: {  	[sflag:s7] =	ssyncset.done $0x0  }
0xb8: {  	[sflag:s7] =	ssyncadd.s32 $0xFFFFFD80  }
0xb9: {  	_ =	swait.ge [sflag:s2], $0x1680  }
0xba: {  	[sflag:s2] =	ssyncset.done $0x0  }
0xbb: {  	[sflag:s2] =	ssyncadd.s32 $0xFFFFE980  }
0xbc: {  	_ =	swait.ge [sflag:s6], $0x280  }
0xbd: {  	[sflag:s6] =	ssyncset.done $0x0  }
0xbe: {  	[sflag:s6] =	ssyncadd.s32 $0xFFFFFD80  }
0xbf: {  	_ =	swait.ge [sflag:s7], $0x280  }
0xc0: {  	[sflag:s7] =	ssyncset.done $0x0  }
0xc1: {  	[sflag:s7] =	ssyncadd.s32 $0xFFFFFD80  }
0xc2: {  	_ =	swait.ge [sflag:s2], $0x1680  }
0xc3: {  	[sflag:s2] =	ssyncset.done $0x0  }
0xc4: {  	[sflag:s2] =	ssyncadd.s32 $0xFFFFE980  }
0xc5: {  	_ =	swait.ge [sflag:s6], $0x280  }
0xc6: {  	[sflag:s6] =	ssyncset.done $0x0  }
0xc7: {  	[sflag:s6] =	ssyncadd.s32 $0xFFFFFD80  }
0xc8: {  	_ =	swait.ge [sflag:s7], $0x280  }
0xc9: {  	[sflag:s7] =	ssyncset.done $0x0  }
0xca: {  	s10 =	simm.s32 @!p1 $0x5;
	[sflag:s7] =	ssyncadd.s32 $0xFFFFFD80  }
0xcb: {  	_ =	swait.ge @!p1 [sflag:s10], $0x1680  }
0xcc: {  	[sflag:s10] =	ssyncset.done @!p1 $0x0  }
0xcd: {  	[sflag:s10] =	ssyncadd.s32 @!p1 $0xFFFFE980;
	s10 =	simm.s32 @!p1 $0x6  }
0xce: {  	_ =	swait.ge @!p1 [sflag:s10], $0x280  }
0xcf: {  	[sflag:s10] =	ssyncset.done @!p1 $0x0  }
0xd0: {  	[sflag:s10] =	ssyncadd.s32 @!p1 $0xFFFFFD80;
	s10 =	simm.s32 @!p1 $0x7  }
.Ltmp8:
0xd1: {  	_ =	swait.ge @!p1 [sflag:s10], $0x280;
	(pc) =	sbr.rel .LBB2_10-.Ltmp8, $4  }
0xd2: {  	[sflag:s10] =	ssyncset.done @!p1 $0x0  }
0xd3: {  	[sflag:s10] =	ssyncadd.s32 @!p1 $0xFFFFFD80  }
0xd4: {  	[bflag:$0x0] =	sbarrier.arrive $0xFFFF  }
0xd5: {  	s10 =	simm.s32 $0x0  }
.LBB2_16:
0xd6: {  	s11 =	sxor.u32 $0x2, s11  }
0xd7: {  	s13 =	smul.u32 $0x5A00, s11  }
0xd8: {  	s14 =	sadd.s32 $0x1, s11;
	s16 =	smul.u32 $0x140, s11  }
0xd9: {  	s11 =	sadd.s32 $0x5, s11;
	_ =	swait.ge [sflag:s14], $0x1680  }
0xda: {  	s13 =	sshrl.u32 s13, $0x2;
	[sflag:s14] =	ssyncset.done $0x0;
	s16 =	sshrl.u32 s16, $0x2  }
0xdb: {  	s13 =	sadd.s32 $0x2990, s13;
	[sflag:s14] =	ssyncadd.s32 $0xFFFFE980;
	s16 =	sadd.s32 $0x2850, s16  }
0xdc: {  	[spmem:s3] =	stream.indirect.scatter.add.f32 [tilespmem:s13], [sflag:s11], $0x48, s16, s5, $0xb8;
	[tilespmem:$0x1E320] =	vst v63  }
.LBB2_17:
0xdd: {  	s10 =	sadd.s32 $0x1, s10  }
0xde: {  	p2 =	sne.s32 s10, $0xFC  }
.Ltmp9:
0xdf: {  	_ = 	snop;
	(pc) =	sbr.rel @!p2 .LBB2_18-.Ltmp9, $1  }
0xe0: {  	_ =	sdelay $0x3  }
.LBB2_10:
0xe1: {  	p2 =	sne.s32 s10, $0x7D  }
.Ltmp10:
0xe2: {  	_ = 	snop;
	(pc) =	sbr.rel @p2 .LBB2_12-.Ltmp10, $2  }
0xe3: {  	_ =	sdelay $0x2  }
0xe4: {  	s11 =	sand.u32 $0x3, s10  }
0xe5: {  	[tilespmem:s12], [sflag:$0x9] =	stream.linear.gather [hbm4b:s26+s12], $0x2710, $0x38;
	[tilespmem:$0x1E320] =	vst v63  }
0xe6: {  	_ =	swait.ge [sflag:s28], $0x2710  }
0xe7: {  	[sflag:s28] =	ssyncset.done $0x0  }
0xe8: {  	[sflag:s28] =	ssyncadd.s32 $0xFFFFD8F0  }
.LBB2_14:
0xe9: {  	s13 =	sadd.s32 $0x5, s11  }
0xea: {  	_ =	swait.ge [sflag:s13], $0x1680  }
0xeb: {  	[sflag:s13] =	ssyncset.done $0x0  }
0xec: {  	[sflag:s13] =	ssyncadd.s32 $0xFFFFE980  }
.LBB2_15:
0xed: {  	s13 =	sand.u32 $0xFF, s10  }
0xee: {  	s14 =	sadd.s32 $0x83, s10;
	p2 =	slt.u32 s13, $0x7D  }
0xef: {  	s14 =	smov.u32 @p2 s10  }
0xf0: {  	s14 =	sand.u32 $0xFF, s14  }
0xf1: {  	s13 =	smul.u32 $0x140, s14;
	_ =	sdelay $0x1  }
0xf2: {  	s13 =	sshrl.u32 s13, $0x2  }
0xf3: {  	v2 =	vld [tilespmem:s13+$0x0];
	_ =	sdelay $0x3  }
0xf4: {  	s14 =	smul.u32 $0x50, s11  }
0xf5: {  	v3 =	vand.u32 $0x3FFF, v2  }
0xf6: {  	v2 =	vshrl.u32 v2, $0xE;
	[tilespmem:s14+$0x2710] =	vst v3  }
0xf7: {  	[tilespmem:s14+$0x2850] =	vst v2  }
0xf8: {  	v2 =	vld [tilespmem:s13+$0x10];
	_ =	sdelay $0x4  }
0xf9: {  	v3 =	vand.u32 $0x3FFF, v2  }
0xfa: {  	v2 =	vshrl.u32 v2, $0xE;
	[tilespmem:s14+$0x2720] =	vst v3  }
0xfb: {  	[tilespmem:s14+$0x2860] =	vst v2  }
0xfc: {  	v2 =	vld [tilespmem:s13+$0x20];
	_ =	sdelay $0x4  }
0xfd: {  	v3 =	vand.u32 $0x3FFF, v2  }
0xfe: {  	v2 =	vshrl.u32 v2, $0xE;
	[tilespmem:s14+$0x2730] =	vst v3  }
0xff: {  	[tilespmem:s14+$0x2870] =	vst v2  }
0x100: {  	v2 =	vld [tilespmem:s13+$0x30];
	_ =	sdelay $0x4  }
0x101: {  	v3 =	vand.u32 $0x3FFF, v2  }
0x102: {  	v2 =	vshrl.u32 v2, $0xE;
	[tilespmem:s14+$0x2740] =	vst v3  }
0x103: {  	[tilespmem:s14+$0x2880] =	vst v2  }
0x104: {  	v2 =	vld [tilespmem:s13+$0x40];
	_ =	sdelay $0x2  }
0x105: {  	s16 =	smul.u32 $0x5A00, s11;
	p2 =	slt.u32 s10, $0x2  }
.Ltmp11:
0x106: {  	_ = 	snop;
	(pc) =	sbr.rel @p2 .LBB2_17-.Ltmp11, $4  }
.Ltmp12:
0x107: {  	v3 =	vand.u32 $0x3FFF, v2;
	(pc) =	sbr.rel @!p2 .LBB2_16-.Ltmp12, $4  }
0x108: {  	s13 =	sshrl.u32 s16, $0x2;
	v2 =	vshrl.u32 v2, $0xE;
	[tilespmem:s14+$0x2750] =	vst v3  }
0x109: {  	s16 =	sadd.s32 $0x2710, s14;
	s13 =	sadd.s32 $0x2990, s13;
	[tilespmem:s14+$0x2890] =	vst v2;
	s14 =	sadd.s32 $0x1, s11  }
0x10a: {  	[tilespmem:s13], [sflag:s14] =	stream.indirect.gather [spmem:s4], $0x48, s16, s5, $0xb8;
	[tilespmem:$0x1E320] =	vst v63  }
0x10b: {  	_ = 	snop  }
.LBB2_12:
0x10c: {  	p2 =	sgt.u32 s10, $0xF9  }
.Ltmp13:
0x10d: {  	_ = 	snop;
	(pc) =	sbr.rel @p2 .LBB2_16-.Ltmp13, $1  }
0x10e: {  	_ =	sdelay $0x3  }
0x10f: {  	p2 =	slt.u32 s10, $0x4  }
.Ltmp14:
0x110: {  	_ = 	snop;
	(pc) =	sbr.rel @p2 .LBB2_15-.Ltmp14, $4  }
.Ltmp15:
0x111: {  	_ = 	snop;
	(pc) =	sbr.rel @!p2 .LBB2_14-.Ltmp15, $4  }
0x112: {  	_ = 	snop  }
0x113: {  	_ = 	snop  }
0x114: {  	_ = 	snop  }
0x115: {  	_ = 	snop  }
.LBB2_19:
0x116: {  	_ =	sfence.sel $0x180000  }
0x117: {  	[bflag:$0x0] =	sbarrier.arrive $0xFFFF  }
0x118: {  	_ =	strace $0x90000047  }
0x119: {  	[bflag:$0x2] =	sbarrier.arrive $0xFFFF  }
0x11a: {  	p0 =	sne.s32 s1, $0x0;
	s0 =	rddreg [dreg:$0x5]  }
0x11b: {  	s0 =	sadd.s32 @!p0 $0x100000, s0  }
0x11c: {  	[sflag:s0] =	ssyncadd.tile.s32 @!p0 $0x1;
	_ =	shalt  }
.Lfunc_end2:
_tile_overlayer_lowered:
.L_overlay_start_2:
0x11d: {  	(tag) =	ssettag $0x2  }
0x11e: {  	s0 =	rddreg [dreg:$0x0];
	s2 =	stileid.u32  }
0x11f: {  	s1 =	rddreg [dreg:$0x1];
	p0 =	sne.s32 s2, $0x0  }
0x120: {  	s3 =	rddreg [dreg:$0x2];
	[bflag:$0x3] =	sbarrier.arrive $0xFFFF;
	s2 =	simm.s32 @!p0 $0x1C09  }
0x121: {  	[timem:s3], [sflag:s2] =	dma.local @!p0 [hbm:s0], s1  }
0x122: {  	s0 =	simm.s32 @!p0 $0x9  }
0x123: {  	_ =	swait.ge @!p0 [sflag:s0], s1  }
0x124: {  	s1 =	ssub.s32 @!p0 $0x0, s1;
	[sflag:s0] =	ssyncset.done @!p0 $0x0  }
0x125: {  	[sflag:s0] =	ssyncadd.s32 @!p0 s1  }
0x126: {  	[bflag:$0x3] =	sbarrier.arrive $0xFFFF  }
0x127: {  	_ =	shalt  }

</sc_bundles>
